<compile_context>
chip_gen: v7x
topology: tpu7x:2x2x1
jax: 0.10.2.dev20260603
libtpu: 0.0.44.dev20260713+nightly
codegen_flags: <defaults>
</compile_context>

<pallas_src>
import dataclasses
import functools

import jax
import jax.numpy as jnp
import numpy as np
from jax import lax
from jax.experimental import pallas as pl
from jax.experimental.pallas import tpu as pltpu
from jax.experimental.pallas import tpu_sc as plsc

NC = 2
NS = 16
LANES = 16
NW = NC * NS
K = 128


def _mesh():
    return plsc.VectorSubcoreMesh(
        core_axis_name="c", subcore_axis_name="s", num_cores=NC, num_subcores=NS
    )


def _sc_params():
    cp = pltpu.CompilerParams()
    if "needs_layout_passes" in pltpu.CompilerParams.__dataclass_fields__:
        cp = dataclasses.replace(cp, needs_layout_passes=False)
    return cp


def _zero_shared_slice(zbuf, acc, r0, nrows, d):
    z16 = jnp.zeros((LANES,), jnp.float32)

    @pl.loop(0, K)
    def _(r):
        for j in range(d // LANES):
            zbuf[r, pl.ds(j * LANES, LANES)] = z16

    nfull = nrows // K
    rem = nrows - nfull * K
    for i in range(nfull):
        pltpu.sync_copy(zbuf, acc.at[pl.ds(r0 + i * K, K)])
    if rem:
        pltpu.sync_copy(zbuf.at[pl.ds(0, rem)], acc.at[pl.ds(r0 + nfull * K, rem)])


def _sc_degree(col, ew, n):
    epad = col.shape[0]
    epw = epad // NW
    ch = epw // K
    rps = n // NS

    @functools.partial(
        pl.kernel,
        out_type=jax.ShapeDtypeStruct((NC, n, LANES), jnp.float32),
        mesh=_mesh(),
        compiler_params=_sc_params(),
        scratch_types=[
            pltpu.VMEM((K,), jnp.int32),
            pltpu.VMEM((K,), jnp.float32),
            pltpu.VMEM((K, LANES), jnp.float32),
            pltpu.VMEM_SHARED((n, LANES), jnp.float32),
        ],
    )
    def deg_kernel(col_hbm, ew_hbm, out_hbm, colv, ewv, rowbuf, acc):
        cid = lax.axis_index("c")
        sid = lax.axis_index("s")
        wid = cid * NS + sid
        r0 = sid * rps
        _zero_shared_slice(rowbuf, acc, r0, rps, LANES)
        plsc.subcore_barrier()

        @pl.loop(0, ch)
        def _(c):
            base = wid * epw + c * K
            pltpu.sync_copy(col_hbm.at[pl.ds(base, K)], colv)
            pltpu.sync_copy(ew_hbm.at[pl.ds(base, K)], ewv)

            @pl.loop(0, K)
            def _(k):
                idx = jnp.full((LANES,), k, jnp.int32)
                rowbuf[k, :] = plsc.load_gather(ewv, [idx])

            pltpu.sync_copy(rowbuf, acc.at[colv], add=True)

        plsc.subcore_barrier()
        pltpu.sync_copy(
            acc.at[pl.ds(r0, rps)], out_hbm.at[cid, pl.ds(r0, rps)]
        )

    return deg_kernel(col, ew)


def _sc_spmm(src, row, col, ew, d):
    n = src.shape[0]
    epad = row.shape[0]
    epw = epad // NW
    ch = epw // K
    rps = n // NS

    @functools.partial(
        pl.kernel,
        out_type=jax.ShapeDtypeStruct((NC, n, d), jnp.float32),
        mesh=_mesh(),
        compiler_params=_sc_params(),
        scratch_types=[
            pltpu.VMEM((K,), jnp.int32),
            pltpu.VMEM((K,), jnp.int32),
            pltpu.VMEM((K,), jnp.float32),
            pltpu.VMEM((K, d), jnp.float32),
            pltpu.VMEM_SHARED((n, d), jnp.float32),
        ],
    )
    def spmm_kernel(src_hbm, row_hbm, col_hbm, ew_hbm, out_hbm,
                    rowv, colv, ewv, rows, acc):
        cid = lax.axis_index("c")
        sid = lax.axis_index("s")
        wid = cid * NS + sid
        r0 = sid * rps
        _zero_shared_slice(rows, acc, r0, rps, d)
        plsc.subcore_barrier()

        @pl.loop(0, ch)
        def _(c):
            base = wid * epw + c * K
            pltpu.sync_copy(row_hbm.at[pl.ds(base, K)], rowv)
            pltpu.sync_copy(col_hbm.at[pl.ds(base, K)], colv)
            pltpu.sync_copy(ew_hbm.at[pl.ds(base, K)], ewv)
            pltpu.sync_copy(src_hbm.at[rowv], rows)

            @pl.loop(0, K)
            def _(k):
                idx = jnp.full((LANES,), k, jnp.int32)
                ewb = plsc.load_gather(ewv, [idx])
                for j in range(d // LANES):
                    sl = pl.ds(j * LANES, LANES)
                    rows[k, sl] = rows[k, sl] * ewb

            pltpu.sync_copy(rows, acc.at[colv], add=True)

        plsc.subcore_barrier()
        pltpu.sync_copy(
            acc.at[pl.ds(r0, rps)], out_hbm.at[cid, pl.ds(r0, rps)]
        )

    return spmm_kernel(src, row, col, ew)


def _sc_pair_gather(hab, src, dst):
    n, d2 = hab.shape
    d = d2 // 2
    lpad = src.shape[0]
    lpw = lpad // NW
    ch = lpw // K

    @functools.partial(
        pl.kernel,
        out_type=jax.ShapeDtypeStruct((lpad, d), jnp.float32),
        mesh=_mesh(),
        compiler_params=_sc_params(),
        scratch_types=[
            pltpu.VMEM((K,), jnp.int32),
            pltpu.VMEM((K,), jnp.int32),
            pltpu.VMEM((K, d2), jnp.float32),
            pltpu.VMEM((K, d2), jnp.float32),
            pltpu.VMEM((K, d), jnp.float32),
        ],
    )
    def pair_kernel(hab_hbm, src_hbm, dst_hbm, out_hbm,
                    sv, dv, bufa, bufb, outb):
        cid = lax.axis_index("c")
        sid = lax.axis_index("s")
        wid = cid * NS + sid

        @pl.loop(0, ch)
        def _(c):
            base = wid * lpw + c * K
            pltpu.sync_copy(src_hbm.at[pl.ds(base, K)], sv)
            pltpu.sync_copy(dst_hbm.at[pl.ds(base, K)], dv)
            pltpu.sync_copy(hab_hbm.at[sv], bufa)
            pltpu.sync_copy(hab_hbm.at[dv], bufb)

            @pl.loop(0, K)
            def _(k):
                for j in range(d // LANES):
                    sl = pl.ds(j * LANES, LANES)
                    slb = pl.ds(d + j * LANES, LANES)
                    outb[k, sl] = bufa[k, sl] + bufb[k, slb]

            pltpu.sync_copy(outb, out_hbm.at[pl.ds(base, K)])

    return pair_kernel(hab, src, dst)


def _tc_prep(deg_part, x):
    n, din = x.shape

    def body(dp_ref, x_ref, xs_ref, dinv_ref):
        deg = dp_ref[0, :, 0:1] + dp_ref[1, :, 0:1]
        dinv = jnp.where(deg > 0, lax.rsqrt(jnp.maximum(deg, 1e-12)), 0.0)
        dinv_ref[...] = dinv
        xs_ref[...] = x_ref[...] * dinv

    return pl.pallas_call(
        body,
        out_shape=[
            jax.ShapeDtypeStruct((n, din), jnp.float32),
            jax.ShapeDtypeStruct((n, 1), jnp.float32),
        ],
    )(deg_part, x)


def _tc_mid(agg1, dinv, w1, b1, g1, be1, a2d, w2, wm1):
    n = dinv.shape[0]
    dout = w2.shape[1]
    mh = wm1.shape[1]

    def body(agg_ref, dinv_ref, w1_ref, b1_ref, g1_ref, be1_ref, a_ref,
             w2_ref, wm1_ref, u_ref):
        dinv = dinv_ref[...]
        s1 = (agg_ref[0] + agg_ref[1]) * dinv
        h1 = jnp.dot(s1, w1_ref[...], preferred_element_type=jnp.float32)
        scale = g1_ref[...] * np.float32(1.0 / np.sqrt(1.0 + 1e-5))
        h1 = (h1 + b1_ref[...]) * scale + be1_ref[...]
        h1 = jnp.where(h1 >= 0, h1, h1 * a_ref[...])
        w2ab = jnp.concatenate(
            [
                jnp.dot(w2_ref[...], wm1_ref[0:dout, :],
                        preferred_element_type=jnp.float32),
                jnp.dot(w2_ref[...], wm1_ref[dout:2 * dout, :],
                        preferred_element_type=jnp.float32),
            ],
            axis=1,
        )
        u = jnp.dot(h1, w2ab, preferred_element_type=jnp.float32)
        u_ref[...] = u * dinv

    return pl.pallas_call(
        body,
        out_shape=jax.ShapeDtypeStruct((n, 2 * mh), jnp.float32),
    )(agg1, dinv, w1, b1, g1, be1, a2d, w2, wm1)


def _tc_hab(aggu, dinv, b2, wm1, bm1):
    n = dinv.shape[0]
    mh = wm1.shape[1]
    dout = wm1.shape[0] // 2

    def body(agg_ref, dinv_ref, b2_ref, wm1_ref, bm1_ref, hab_ref):
        ca = (
            jnp.dot(b2_ref[...], wm1_ref[0:dout, :],
                    preferred_element_type=jnp.float32) + bm1_ref[...]
        )
        cb = jnp.dot(b2_ref[...], wm1_ref[dout:2 * dout, :],
                     preferred_element_type=jnp.float32)
        c = jnp.concatenate([ca, cb], axis=1)
        hab_ref[...] = (agg_ref[0] + agg_ref[1]) * dinv_ref[...] + c

    return pl.pallas_call(
        body,
        out_shape=jax.ShapeDtypeStruct((n, 2 * mh), jnp.float32),
    )(aggu, dinv, b2, wm1, bm1)


def _tc_head2(g, wm2_row, bm2_2d):
    lpad, mh = g.shape
    lb = 12800

    def body(g_ref, w_ref, b_ref, z_ref):
        gz = jnp.maximum(g_ref[...], 0.0)
        z_ref[...] = jnp.sum(gz * w_ref[...], axis=1, keepdims=True) + b_ref[...]

    return pl.pallas_call(
        body,
        grid=(lpad // lb,),
        in_specs=[
            pl.BlockSpec((lb, mh), lambda i: (i, 0)),
            pl.BlockSpec((1, mh), lambda i: (0, 0)),
            pl.BlockSpec((1, 1), lambda i: (0, 0)),
        ],
        out_specs=pl.BlockSpec((lb, 1), lambda i: (i, 0)),
        out_shape=jax.ShapeDtypeStruct((lpad, 1), jnp.float32),
    )(g, wm2_row, bm2_2d)


def _pad_to(a, m, value):
    p = (-a.shape[0]) % m
    if p == 0:
        return a
    return jnp.concatenate([a, jnp.full((p,), value, a.dtype)])


def kernel(x, edge_index, edge_attr, label_edge_index, W1, b1, gamma1,
           beta1, prelu_a, W2, b2, Wm1, bm1, Wm2, bm2):
    n, din = x.shape
    l = label_edge_index.shape[1]
    chunk = K * NW

    row = _pad_to(edge_index[0], chunk, 0)
    col = _pad_to(edge_index[1], chunk, 0)
    ew = _pad_to(edge_attr, chunk, 0.0)
    lsrc = _pad_to(label_edge_index[0], chunk, 0)
    ldst = _pad_to(label_edge_index[1], chunk, 0)

    npad = n + ((-n) % (NS * 8))
    xp = jnp.concatenate([x, jnp.zeros((npad - n, din), x.dtype)])

    deg_part = _sc_degree(col, ew, npad)
    xs, dinv = _tc_prep(deg_part, xp)
    agg1 = _sc_spmm(xs, row, col, ew, din)
    u = _tc_mid(
        agg1, dinv, W1, b1.reshape(1, -1), gamma1.reshape(1, -1),
        beta1.reshape(1, -1), prelu_a.reshape(1, 1), W2, Wm1
    )
    aggu = _sc_spmm(u, row, col, ew, u.shape[1])
    hab = _tc_hab(aggu, dinv, b2.reshape(1, -1), Wm1, bm1.reshape(1, -1))
    g = _sc_pair_gather(hab, lsrc, ldst)
    zpad = _tc_head2(g, Wm2.reshape(1, -1), bm2.reshape(1, 1))
    return zpad[:l]

# --- scband reference (transcript-rebuilt; emitter-appended) ---
"""Pipeline reference for scband-encoder-sc-54846732370263 (READ-ONLY COPY).

The authoritative reference and input builder live on the scoring server;
editing this copy changes nothing except your own understanding.
"""

import jax, jax.numpy as jnp
import numpy as np

N = 10000
E = 320000
L = 100000
D_IN, D_H, D_OUT = 128, 256, 64
M_H, M_OUT = 64, 1


def gcn_conv(x, edge_index, ew, W, b):
    h = x @ W
    row = edge_index[0]
    col = edge_index[1]
    deg = jnp.zeros((x.shape[0],), h.dtype).at[col].add(ew)
    dinv = jnp.where(deg > 0, jax.lax.rsqrt(jnp.maximum(deg, 1e-12)), 0.0)
    norm = dinv[row] * ew * dinv[col]
    out = jnp.zeros_like(h).at[col].add(norm[:, None] * h[row])
    return out + b


def setup_inputs(seed: int = 0):
    key = jax.random.key(seed)
    ks = jax.random.split(key, 16)
    x = jax.random.normal(ks[0], (N, D_IN), dtype=jnp.float32)
    edge_index = jax.random.randint(ks[1], (2, E), 0, N, dtype=jnp.int32)
    edge_attr = jax.random.uniform(ks[2], (E,), dtype=jnp.float32)
    label_edge_index = jax.random.randint(ks[3], (2, L), 0, N, dtype=jnp.int32)
    W1 = jax.random.normal(ks[4], (D_IN, D_H), dtype=jnp.float32) / np.sqrt(D_IN)
    b1 = jnp.zeros((D_H,), dtype=jnp.float32)
    gamma1 = jnp.ones((D_H,), dtype=jnp.float32)
    beta1 = jnp.zeros((D_H,), dtype=jnp.float32)
    prelu_a = jnp.asarray(0.25, dtype=jnp.float32)
    W2 = jax.random.normal(ks[5], (D_H, D_OUT), dtype=jnp.float32) / np.sqrt(D_H)
    b2 = jnp.zeros((D_OUT,), dtype=jnp.float32)
    Wm1 = jax.random.normal(ks[6], (2 * D_OUT, M_H), dtype=jnp.float32) / np.sqrt(2 * D_OUT)
    bm1 = jnp.zeros((M_H,), dtype=jnp.float32)
    Wm2 = jax.random.normal(ks[7], (M_H, M_OUT), dtype=jnp.float32) / np.sqrt(M_H)
    bm2 = jnp.zeros((M_OUT,), dtype=jnp.float32)
    return {"x": x, "edge_index": edge_index, "edge_attr": edge_attr, "label_edge_index": label_edge_index, "W1": W1, "b1": b1, "gamma1": gamma1, "beta1": beta1, "prelu_a": prelu_a, "W2": W2, "b2": b2, "Wm1": Wm1, "bm1": bm1, "Wm2": Wm2, "bm2": bm2}


def reference(x, edge_index, edge_attr, label_edge_index, W1, b1, gamma1, beta1, prelu_a, W2, b2, Wm1, bm1, Wm2, bm2):
    # GCN layer 1 (normalize=True, add_self_loops=False)
    h = gcn_conv(x, edge_index, edge_attr, W1, b1)
    # BatchNorm1d in eval mode (running_mean=0, running_var=1 at init)
    h = (h / jnp.sqrt(1.0 + 1e-5)) * gamma1 + beta1
    # PReLU
    h = jnp.where(h >= 0, h, prelu_a * h)
    # dropout inactive in eval mode
    # output GCN layer
    h = gcn_conv(h, edge_index, edge_attr, W2, b2)
    # gather endpoints of label edges
    x1 = jnp.take(h, label_edge_index[0], axis=0)
    x2 = jnp.take(h, label_edge_index[1], axis=0)
    z = jnp.concatenate([x1, x2], axis=-1)
    # MLP head
    z = jnp.maximum(z @ Wm1 + bm1, 0.0)
    z = z @ Wm2 + bm2
    return z

if __name__ == "__main__":
    import jax
    _d = setup_inputs()
    print(jax.jit(kernel)(*tuple(_d.values())))

</pallas_src>

<mosaic_0001>
#map = affine_map<(d0, d1) -> (0)>
#map1 = affine_map<(d0, d1) -> (0, 0, 0)>
module attributes {stable_mosaic.version = 14 : i64} {
  func.func @deg_kernel(%arg0: i32, %arg1: i32, %arg2: memref<323584xi32, #tpu.memory_space<hbm>>, %arg3: memref<323584xf32, #tpu.memory_space<hbm>>, %arg4: memref<2x10112x16xf32, #tpu.memory_space<hbm>>, %arg5: memref<128xi32, #tpu.memory_space<vmem>>, %arg6: memref<128xf32, #tpu.memory_space<vmem>>, %arg7: memref<128x16xf32, #tpu.memory_space<vmem>>, %arg8: memref<10112x16xf32, #tpu.memory_space<vmem_shared>>) attributes {dimension_semantics = [#tpu.dimension_semantics<core_parallel>, #tpu.dimension_semantics<subcore_parallel>], iteration_bounds = array<i64: 2, 16>, scalar_prefetch = 0 : i64, scratch_operands = 4 : i64, tpu.core_type = #tpu.core_type<sc_vector_subcore>, window_params = [{transform_indices = #map}, {transform_indices = #map}, {transform_indices = #map1}]} {
    %mul3A = arith.constant 16 : i32
    %mul3A_0 = arith.muli %arg0, %mul3A : i32
    %add3A = arith.addi %mul3A_0, %arg1 : i32
    %mul3A_1 = arith.constant 632 : i32
    %mul3A_2 = arith.muli %arg1, %mul3A_1 : i32
    %broadcast_in_dim3A = arith.constant 0.000000e+00 : f32
    %broadcast_in_dim3A_3 = vector.broadcast %broadcast_in_dim3A : f32 to vector<16xf32>
    %scan3A = arith.constant 0 : i32
    %scan3A_4 = arith.constant 128 : i32
    %scan3A_5 = arith.addi %scan3A, %scan3A_4 : i32
    %scan3A_6 = arith.constant 1 : i32
    scf.for %scan3A_24 = %scan3A to %scan3A_5 step %scan3A_6  : i32 {
      %mul3A_25 = arith.constant 1 : i32
      %mul3A_26 = arith.muli %scan3A_24, %mul3A_25 : i32
      %add3A_27 = arith.constant 0 : i32
      %add3A_28 = arith.addi %add3A_27, %mul3A_26 : i32
      %swap3A = arith.index_cast %add3A_28 : i32 to index
      %swap3A_29 = arith.constant 0 : index
      %swap3A_30 = tpu.vector_load %arg7[%swap3A, %swap3A_29] {strides = array<i32>} : memref<128x16xf32, #tpu.memory_space<vmem>>, vector<16xf32>,
      tpu.vector_store %arg7[%swap3A, %swap3A_29], %broadcast_in_dim3A_3 {strides = array<i32>} : memref<128x16xf32, #tpu.memory_space<vmem>>, vector<16xf32>,
    }
    %scan3A_7 = arith.constant 128 : i32
    %add3A_8 = arith.constant 0 : i32
    %add3A_9 = arith.addi %mul3A_2, %add3A_8 : i32
    "tpu.region"() ({
      %run_scoped3A = tpu.sem_alloc : memref<!tpu.dma_semaphore, #tpu.memory_space<semaphore_mem>>
      %dma_start3A = arith.constant 0 : i32
      %dma_start3A_24 = tpu.memref_slice %arg8[%add3A_9, %dma_start3A] : memref<10112x16xf32, #tpu.memory_space<vmem_shared>> -> memref<128x16xf32, #tpu.memory_space<vmem_shared>>
      %dma_start3A_25 = arith.constant 0 : i32
      %dma_start3A_26 = tpu.memref_slice %arg8[%add3A_9, %dma_start3A_25] : memref<10112x16xf32, #tpu.memory_space<vmem_shared>> -> memref<128x16xf32, #tpu.memory_space<vmem_shared>>
      tpu.enqueue_dma source(%arg7 : memref<128x16xf32, #tpu.memory_space<vmem>>) target(%dma_start3A_26 : memref<128x16xf32, #tpu.memory_space<vmem_shared>>) target_semaphore(%run_scoped3A : memref<!tpu.dma_semaphore, #tpu.memory_space<semaphore_mem>>)
      %dma_wait3A = arith.constant 0 : i32
      %dma_wait3A_27 = tpu.memref_slice %arg8[%add3A_9, %dma_wait3A] : memref<10112x16xf32, #tpu.memory_space<vmem_shared>> -> memref<128x16xf32, #tpu.memory_space<vmem_shared>>
      %dma_wait3A_28 = arith.constant 0 : i32
      %dma_wait3A_29 = tpu.memref_slice %arg8[%add3A_9, %dma_wait3A_28] : memref<10112x16xf32, #tpu.memory_space<vmem_shared>> -> memref<128x16xf32, #tpu.memory_space<vmem_shared>>
      tpu.wait_dma2 semaphore(%run_scoped3A : memref<!tpu.dma_semaphore, #tpu.memory_space<semaphore_mem>>) src(%arg7 : memref<128x16xf32, #tpu.memory_space<vmem>>) dst(%dma_wait3A_29 : memref<128x16xf32, #tpu.memory_space<vmem_shared>>)
      tpu.yield
    }) : () -> ()
    %add3A_10 = arith.constant 128 : i32
    %add3A_11 = arith.addi %mul3A_2, %add3A_10 : i32
    "tpu.region"() ({
      %run_scoped3A = tpu.sem_alloc : memref<!tpu.dma_semaphore, #tpu.memory_space<semaphore_mem>>
      %dma_start3A = arith.constant 0 : i32
      %dma_start3A_24 = tpu.memref_slice %arg8[%add3A_11, %dma_start3A] : memref<10112x16xf32, #tpu.memory_space<vmem_shared>> -> memref<128x16xf32, #tpu.memory_space<vmem_shared>>
      %dma_start3A_25 = arith.constant 0 : i32
      %dma_start3A_26 = tpu.memref_slice %arg8[%add3A_11, %dma_start3A_25] : memref<10112x16xf32, #tpu.memory_space<vmem_shared>> -> memref<128x16xf32, #tpu.memory_space<vmem_shared>>
      tpu.enqueue_dma source(%arg7 : memref<128x16xf32, #tpu.memory_space<vmem>>) target(%dma_start3A_26 : memref<128x16xf32, #tpu.memory_space<vmem_shared>>) target_semaphore(%run_scoped3A : memref<!tpu.dma_semaphore, #tpu.memory_space<semaphore_mem>>)
      %dma_wait3A = arith.constant 0 : i32
      %dma_wait3A_27 = tpu.memref_slice %arg8[%add3A_11, %dma_wait3A] : memref<10112x16xf32, #tpu.memory_space<vmem_shared>> -> memref<128x16xf32, #tpu.memory_space<vmem_shared>>
      %dma_wait3A_28 = arith.constant 0 : i32
      %dma_wait3A_29 = tpu.memref_slice %arg8[%add3A_11, %dma_wait3A_28] : memref<10112x16xf32, #tpu.memory_space<vmem_shared>> -> memref<128x16xf32, #tpu.memory_space<vmem_shared>>
      tpu.wait_dma2 semaphore(%run_scoped3A : memref<!tpu.dma_semaphore, #tpu.memory_space<semaphore_mem>>) src(%arg7 : memref<128x16xf32, #tpu.memory_space<vmem>>) dst(%dma_wait3A_29 : memref<128x16xf32, #tpu.memory_space<vmem_shared>>)
      tpu.yield
    }) : () -> ()
    %add3A_12 = arith.constant 256 : i32
    %add3A_13 = arith.addi %mul3A_2, %add3A_12 : i32
    "tpu.region"() ({
      %run_scoped3A = tpu.sem_alloc : memref<!tpu.dma_semaphore, #tpu.memory_space<semaphore_mem>>
      %dma_start3A = arith.constant 0 : i32
      %dma_start3A_24 = tpu.memref_slice %arg8[%add3A_13, %dma_start3A] : memref<10112x16xf32, #tpu.memory_space<vmem_shared>> -> memref<128x16xf32, #tpu.memory_space<vmem_shared>>
      %dma_start3A_25 = arith.constant 0 : i32
      %dma_start3A_26 = tpu.memref_slice %arg8[%add3A_13, %dma_start3A_25] : memref<10112x16xf32, #tpu.memory_space<vmem_shared>> -> memref<128x16xf32, #tpu.memory_space<vmem_shared>>
      tpu.enqueue_dma source(%arg7 : memref<128x16xf32, #tpu.memory_space<vmem>>) target(%dma_start3A_26 : memref<128x16xf32, #tpu.memory_space<vmem_shared>>) target_semaphore(%run_scoped3A : memref<!tpu.dma_semaphore, #tpu.memory_space<semaphore_mem>>)
      %dma_wait3A = arith.constant 0 : i32
      %dma_wait3A_27 = tpu.memref_slice %arg8[%add3A_13, %dma_wait3A] : memref<10112x16xf32, #tpu.memory_space<vmem_shared>> -> memref<128x16xf32, #tpu.memory_space<vmem_shared>>
      %dma_wait3A_28 = arith.constant 0 : i32
      %dma_wait3A_29 = tpu.memref_slice %arg8[%add3A_13, %dma_wait3A_28] : memref<10112x16xf32, #tpu.memory_space<vmem_shared>> -> memref<128x16xf32, #tpu.memory_space<vmem_shared>>
      tpu.wait_dma2 semaphore(%run_scoped3A : memref<!tpu.dma_semaphore, #tpu.memory_space<semaphore_mem>>) src(%arg7 : memref<128x16xf32, #tpu.memory_space<vmem>>) dst(%dma_wait3A_29 : memref<128x16xf32, #tpu.memory_space<vmem_shared>>)
      tpu.yield
    }) : () -> ()
    %add3A_14 = arith.constant 384 : i32
    %add3A_15 = arith.addi %mul3A_2, %add3A_14 : i32
    "tpu.region"() ({
      %run_scoped3A = tpu.sem_alloc : memref<!tpu.dma_semaphore, #tpu.memory_space<semaphore_mem>>
      %dma_start3A = arith.constant 0 : i32
      %dma_start3A_24 = tpu.memref_slice %arg8[%add3A_15, %dma_start3A] : memref<10112x16xf32, #tpu.memory_space<vmem_shared>> -> memref<128x16xf32, #tpu.memory_space<vmem_shared>>
      %dma_start3A_25 = arith.constant 0 : i32
      %dma_start3A_26 = tpu.memref_slice %arg8[%add3A_15, %dma_start3A_25] : memref<10112x16xf32, #tpu.memory_space<vmem_shared>> -> memref<128x16xf32, #tpu.memory_space<vmem_shared>>
      tpu.enqueue_dma source(%arg7 : memref<128x16xf32, #tpu.memory_space<vmem>>) target(%dma_start3A_26 : memref<128x16xf32, #tpu.memory_space<vmem_shared>>) target_semaphore(%run_scoped3A : memref<!tpu.dma_semaphore, #tpu.memory_space<semaphore_mem>>)
      %dma_wait3A = arith.constant 0 : i32
      %dma_wait3A_27 = tpu.memref_slice %arg8[%add3A_15, %dma_wait3A] : memref<10112x16xf32, #tpu.memory_space<vmem_shared>> -> memref<128x16xf32, #tpu.memory_space<vmem_shared>>
      %dma_wait3A_28 = arith.constant 0 : i32
      %dma_wait3A_29 = tpu.memref_slice %arg8[%add3A_15, %dma_wait3A_28] : memref<10112x16xf32, #tpu.memory_space<vmem_shared>> -> memref<128x16xf32, #tpu.memory_space<vmem_shared>>
      tpu.wait_dma2 semaphore(%run_scoped3A : memref<!tpu.dma_semaphore, #tpu.memory_space<semaphore_mem>>) src(%arg7 : memref<128x16xf32, #tpu.memory_space<vmem>>) dst(%dma_wait3A_29 : memref<128x16xf32, #tpu.memory_space<vmem_shared>>)
      tpu.yield
    }) : () -> ()
    %add3A_16 = arith.constant 512 : i32
    %add3A_17 = arith.addi %mul3A_2, %add3A_16 : i32
    "tpu.region"() ({
      %run_scoped3A = tpu.sem_alloc : memref<!tpu.dma_semaphore, #tpu.memory_space<semaphore_mem>>
      %dma_start3A = arith.constant 0 : i32
      %dma_start3A_24 = arith.constant 0 : i32
      %dma_start3A_25 = tpu.memref_slice %arg7[%dma_start3A, %dma_start3A_24] : memref<128x16xf32, #tpu.memory_space<vmem>> -> memref<120x16xf32, #tpu.memory_space<vmem>>
      %dma_start3A_26 = arith.constant 0 : i32
      %dma_start3A_27 = tpu.memref_slice %arg8[%add3A_17, %dma_start3A_26] : memref<10112x16xf32, #tpu.memory_space<vmem_shared>> -> memref<120x16xf32, #tpu.memory_space<vmem_shared>>
      %dma_start3A_28 = arith.constant 0 : i32
      %dma_start3A_29 = tpu.memref_slice %arg8[%add3A_17, %dma_start3A_28] : memref<10112x16xf32, #tpu.memory_space<vmem_shared>> -> memref<120x16xf32, #tpu.memory_space<vmem_shared>>
      %dma_start3A_30 = arith.constant 0 : i32
      %dma_start3A_31 = arith.constant 0 : i32
      %dma_start3A_32 = tpu.memref_slice %arg7[%dma_start3A_30, %dma_start3A_31] : memref<128x16xf32, #tpu.memory_space<vmem>> -> memref<120x16xf32, #tpu.memory_space<vmem>>
      tpu.enqueue_dma source(%dma_start3A_32 : memref<120x16xf32, #tpu.memory_space<vmem>>) target(%dma_start3A_29 : memref<120x16xf32, #tpu.memory_space<vmem_shared>>) target_semaphore(%run_scoped3A : memref<!tpu.dma_semaphore, #tpu.memory_space<semaphore_mem>>)
      %dma_wait3A = arith.constant 0 : i32
      %dma_wait3A_33 = arith.constant 0 : i32
      %dma_wait3A_34 = tpu.memref_slice %arg7[%dma_wait3A, %dma_wait3A_33] : memref<128x16xf32, #tpu.memory_space<vmem>> -> memref<120x16xf32, #tpu.memory_space<vmem>>
      %dma_wait3A_35 = arith.constant 0 : i32
      %dma_wait3A_36 = tpu.memref_slice %arg8[%add3A_17, %dma_wait3A_35] : memref<10112x16xf32, #tpu.memory_space<vmem_shared>> -> memref<120x16xf32, #tpu.memory_space<vmem_shared>>
      %dma_wait3A_37 = arith.constant 0 : i32
      %dma_wait3A_38 = tpu.memref_slice %arg8[%add3A_17, %dma_wait3A_37] : memref<10112x16xf32, #tpu.memory_space<vmem_shared>> -> memref<120x16xf32, #tpu.memory_space<vmem_shared>>
      %dma_wait3A_39 = arith.constant 0 : i32
      %dma_wait3A_40 = arith.constant 0 : i32
      %dma_wait3A_41 = tpu.memref_slice %arg7[%dma_wait3A_39, %dma_wait3A_40] : memref<128x16xf32, #tpu.memory_space<vmem>> -> memref<120x16xf32, #tpu.memory_space<vmem>>
      tpu.wait_dma2 semaphore(%run_scoped3A : memref<!tpu.dma_semaphore, #tpu.memory_space<semaphore_mem>>) src(%dma_wait3A_41 : memref<120x16xf32, #tpu.memory_space<vmem>>) dst(%dma_wait3A_38 : memref<120x16xf32, #tpu.memory_space<vmem_shared>>)
      tpu.yield
    }) : () -> ()
    %barrier3A = arith.constant 0 : index
    tpu.barrier barrier_id(%barrier3A)
    %scan3A_18 = arith.constant 0 : i32
    %scan3A_19 = arith.constant 79 : i32
    %scan3A_20 = arith.addi %scan3A_18, %scan3A_19 : i32
    %scan3A_21 = arith.constant 1 : i32
    scf.for %scan3A_24 = %scan3A_18 to %scan3A_20 step %scan3A_21  : i32 {
      %mul3A_25 = arith.constant 1 : i32
      %mul3A_26 = arith.muli %scan3A_24, %mul3A_25 : i32
      %add3A_27 = arith.constant 0 : i32
      %add3A_28 = arith.addi %add3A_27, %mul3A_26 : i32
      %mul3A_29 = arith.constant 10112 : i32
      %mul3A_30 = arith.muli %add3A, %mul3A_29 : i32
      %mul3A_31 = arith.constant 128 : i32
      %mul3A_32 = arith.muli %add3A_28, %mul3A_31 : i32
      %add3A_33 = arith.addi %mul3A_30, %mul3A_32 : i32
      "tpu.region"() ({
        %run_scoped3A = tpu.sem_alloc : memref<!tpu.dma_semaphore, #tpu.memory_space<semaphore_mem>>
        %dma_start3A = tpu.memref_slice %arg2[%add3A_33] : memref<323584xi32, #tpu.memory_space<hbm>> -> memref<128xi32, #tpu.memory_space<hbm>>
        %dma_start3A_39 = tpu.memref_slice %arg2[%add3A_33] : memref<323584xi32, #tpu.memory_space<hbm>> -> memref<128xi32, #tpu.memory_space<hbm>>
        tpu.enqueue_dma source(%dma_start3A_39 : memref<128xi32, #tpu.memory_space<hbm>>) target(%arg5 : memref<128xi32, #tpu.memory_space<vmem>>) target_semaphore(%run_scoped3A : memref<!tpu.dma_semaphore, #tpu.memory_space<semaphore_mem>>)
        %dma_wait3A = tpu.memref_slice %arg2[%add3A_33] : memref<323584xi32, #tpu.memory_space<hbm>> -> memref<128xi32, #tpu.memory_space<hbm>>
        %dma_wait3A_40 = tpu.memref_slice %arg2[%add3A_33] : memref<323584xi32, #tpu.memory_space<hbm>> -> memref<128xi32, #tpu.memory_space<hbm>>
        tpu.wait_dma2 semaphore(%run_scoped3A : memref<!tpu.dma_semaphore, #tpu.memory_space<semaphore_mem>>) src(%dma_wait3A_40 : memref<128xi32, #tpu.memory_space<hbm>>) dst(%arg5 : memref<128xi32, #tpu.memory_space<vmem>>)
        tpu.yield
      }) : () -> ()
      "tpu.region"() ({
        %run_scoped3A = tpu.sem_alloc : memref<!tpu.dma_semaphore, #tpu.memory_space<semaphore_mem>>
        %dma_start3A = tpu.memref_slice %arg3[%add3A_33] : memref<323584xf32, #tpu.memory_space<hbm>> -> memref<128xf32, #tpu.memory_space<hbm>>
        %dma_start3A_39 = tpu.memref_slice %arg3[%add3A_33] : memref<323584xf32, #tpu.memory_space<hbm>> -> memref<128xf32, #tpu.memory_space<hbm>>
        tpu.enqueue_dma source(%dma_start3A_39 : memref<128xf32, #tpu.memory_space<hbm>>) target(%arg6 : memref<128xf32, #tpu.memory_space<vmem>>) target_semaphore(%run_scoped3A : memref<!tpu.dma_semaphore, #tpu.memory_space<semaphore_mem>>)
        %dma_wait3A = tpu.memref_slice %arg3[%add3A_33] : memref<323584xf32, #tpu.memory_space<hbm>> -> memref<128xf32, #tpu.memory_space<hbm>>
        %dma_wait3A_40 = tpu.memref_slice %arg3[%add3A_33] : memref<323584xf32, #tpu.memory_space<hbm>> -> memref<128xf32, #tpu.memory_space<hbm>>
        tpu.wait_dma2 semaphore(%run_scoped3A : memref<!tpu.dma_semaphore, #tpu.memory_space<semaphore_mem>>) src(%dma_wait3A_40 : memref<128xf32, #tpu.memory_space<hbm>>) dst(%arg6 : memref<128xf32, #tpu.memory_space<vmem>>)
        tpu.yield
      }) : () -> ()
      %scan3A_34 = arith.constant 0 : i32
      %scan3A_35 = arith.constant 128 : i32
      %scan3A_36 = arith.addi %scan3A_34, %scan3A_35 : i32
      %scan3A_37 = arith.constant 1 : i32
      scf.for %scan3A_39 = %scan3A_34 to %scan3A_36 step %scan3A_37  : i32 {
        %mul3A_40 = arith.constant 1 : i32
        %mul3A_41 = arith.muli %scan3A_39, %mul3A_40 : i32
        %add3A_42 = arith.constant 0 : i32
        %add3A_43 = arith.addi %add3A_42, %mul3A_41 : i32
        %broadcast_in_dim3A_44 = vector.broadcast %add3A_43 : i32 to vector<16xi32>
        %gather3A = tpu.vector_load_idx %arg6[%broadcast_in_dim3A_44] : memref<128xf32, #tpu.memory_space<vmem>>[vector<16xi32>], vector<16xf32>,
        %swap3A = arith.index_cast %add3A_43 : i32 to index
        %swap3A_45 = arith.constant 0 : index
        %swap3A_46 = tpu.vector_load %arg7[%swap3A, %swap3A_45] {strides = array<i32>} : memref<128x16xf32, #tpu.memory_space<vmem>>, vector<16xf32>,
        tpu.vector_store %arg7[%swap3A, %swap3A_45], %gather3A {strides = array<i32>} : memref<128x16xf32, #tpu.memory_space<vmem>>, vector<16xf32>,
      }
      %scan3A_38 = arith.constant 128 : i32
      "tpu.region"() ({
        %run_scoped3A = tpu.sem_alloc : memref<!tpu.dma_semaphore, #tpu.memory_space<semaphore_mem>>
        %dma_start3A = arith.constant 0 : i32
        %dma_start3A_39 = arith.constant 0 : i32
        %dma_start3A_40 = tpu.memref_slice %arg8[%dma_start3A, %dma_start3A_39] : memref<10112x16xf32, #tpu.memory_space<vmem_shared>> -> memref<10112x16xf32, #tpu.memory_space<vmem_shared>>
        tpu.enqueue_indirect_dma source(%arg7 : memref<128x16xf32, #tpu.memory_space<vmem>>) target(%dma_start3A_40 : memref<10112x16xf32, #tpu.memory_space<vmem_shared>>) offsets(%arg5 : memref<128xi32, #tpu.memory_space<vmem>>) semaphore(%run_scoped3A : memref<!tpu.dma_semaphore, #tpu.memory_space<semaphore_mem>>) {add = true}
        %dma_wait3A = arith.constant 0 : i32
        %dma_wait3A_41 = arith.constant 0 : i32
        %dma_wait3A_42 = tpu.memref_slice %arg8[%dma_wait3A, %dma_wait3A_41] : memref<10112x16xf32, #tpu.memory_space<vmem_shared>> -> memref<10112x16xf32, #tpu.memory_space<vmem_shared>>
        tpu.wait_indirect_dma semaphore(%run_scoped3A : memref<!tpu.dma_semaphore, #tpu.memory_space<semaphore_mem>>) src(%arg7 : memref<128x16xf32, #tpu.memory_space<vmem>>) dst(%dma_wait3A_42 : memref<10112x16xf32, #tpu.memory_space<vmem_shared>>)
        tpu.yield
      }) : () -> ()
    }
    %scan3A_22 = arith.constant 79 : i32
    %barrier3A_23 = arith.constant 0 : index
    tpu.barrier barrier_id(%barrier3A_23)
    "tpu.region"() ({
      %run_scoped3A = tpu.sem_alloc : memref<!tpu.dma_semaphore, #tpu.memory_space<semaphore_mem>>
      %dma_start3A = arith.constant 0 : i32
      %dma_start3A_24 = tpu.memref_slice %arg4[%arg0, %mul3A_2, %dma_start3A] : memref<2x10112x16xf32, #tpu.memory_space<hbm>> -> memref<1x632x16xf32, #tpu.memory_space<hbm>>
      %dma_start3A_25 = tpu.memref_squeeze %dma_start3A_24 : memref<1x632x16xf32, #tpu.memory_space<hbm>> -> memref<632x16xf32, #tpu.memory_space<hbm>>
      %dma_start3A_26 = arith.constant 0 : i32
      %dma_start3A_27 = tpu.memref_slice %arg8[%mul3A_2, %dma_start3A_26] : memref<10112x16xf32, #tpu.memory_space<vmem_shared>> -> memref<632x16xf32, #tpu.memory_space<vmem_shared>>
      tpu.enqueue_dma source(%dma_start3A_27 : memref<632x16xf32, #tpu.memory_space<vmem_shared>>) target(%dma_start3A_25 : memref<632x16xf32, #tpu.memory_space<hbm>>) target_semaphore(%run_scoped3A : memref<!tpu.dma_semaphore, #tpu.memory_space<semaphore_mem>>)
      %dma_wait3A = arith.constant 0 : i32
      %dma_wait3A_28 = tpu.memref_slice %arg4[%arg0, %mul3A_2, %dma_wait3A] : memref<2x10112x16xf32, #tpu.memory_space<hbm>> -> memref<1x632x16xf32, #tpu.memory_space<hbm>>
      %dma_wait3A_29 = tpu.memref_squeeze %dma_wait3A_28 : memref<1x632x16xf32, #tpu.memory_space<hbm>> -> memref<632x16xf32, #tpu.memory_space<hbm>>
      %dma_wait3A_30 = arith.constant 0 : i32
      %dma_wait3A_31 = tpu.memref_slice %arg8[%mul3A_2, %dma_wait3A_30] : memref<10112x16xf32, #tpu.memory_space<vmem_shared>> -> memref<632x16xf32, #tpu.memory_space<vmem_shared>>
      tpu.wait_dma2 semaphore(%run_scoped3A : memref<!tpu.dma_semaphore, #tpu.memory_space<semaphore_mem>>) src(%dma_wait3A_31 : memref<632x16xf32, #tpu.memory_space<vmem_shared>>) dst(%dma_wait3A_29 : memref<632x16xf32, #tpu.memory_space<hbm>>)
      tpu.yield
    }) : () -> ()
    return
  }
}

#map = affine_map<(d0, d1) -> (0, 0)>
#map1 = affine_map<(d0, d1) -> (0)>
module attributes {stable_mosaic.version = 14 : i64} {
  func.func @pair_kernel(%arg0: i32, %arg1: i32, %arg2: memref<10112x128xf32, #tpu.memory_space<hbm>>, %arg3: memref<102400xi32, #tpu.memory_space<hbm>>, %arg4: memref<102400xi32, #tpu.memory_space<hbm>>, %arg5: memref<102400x64xf32, #tpu.memory_space<hbm>>, %arg6: memref<128xi32, #tpu.memory_space<vmem>>, %arg7: memref<128xi32, #tpu.memory_space<vmem>>, %arg8: memref<128x128xf32, #tpu.memory_space<vmem>>, %arg9: memref<128x128xf32, #tpu.memory_space<vmem>>, %arg10: memref<128x64xf32, #tpu.memory_space<vmem>>) attributes {dimension_semantics = [#tpu.dimension_semantics<core_parallel>, #tpu.dimension_semantics<subcore_parallel>], iteration_bounds = array<i64: 2, 16>, scalar_prefetch = 0 : i64, scratch_operands = 5 : i64, tpu.core_type = #tpu.core_type<sc_vector_subcore>, window_params = [{transform_indices = #map}, {transform_indices = #map1}, {transform_indices = #map1}, {transform_indices = #map}]} {
    %mul3A = arith.constant 16 : i32
    %mul3A_0 = arith.muli %arg0, %mul3A : i32
    %add3A = arith.addi %mul3A_0, %arg1 : i32
    %scan3A = arith.constant 0 : i32
    %scan3A_1 = arith.constant 25 : i32
    %scan3A_2 = arith.addi %scan3A, %scan3A_1 : i32
    %scan3A_3 = arith.constant 1 : i32
    scf.for %scan3A_5 = %scan3A to %scan3A_2 step %scan3A_3  : i32 {
      %mul3A_6 = arith.constant 1 : i32
      %mul3A_7 = arith.muli %scan3A_5, %mul3A_6 : i32
      %add3A_8 = arith.constant 0 : i32
      %add3A_9 = arith.addi %add3A_8, %mul3A_7 : i32
      %mul3A_10 = arith.constant 3200 : i32
      %mul3A_11 = arith.muli %add3A, %mul3A_10 : i32
      %mul3A_12 = arith.constant 128 : i32
      %mul3A_13 = arith.muli %add3A_9, %mul3A_12 : i32
      %add3A_14 = arith.addi %mul3A_11, %mul3A_13 : i32
      "tpu.region"() ({
        %run_scoped3A = tpu.sem_alloc : memref<!tpu.dma_semaphore, #tpu.memory_space<semaphore_mem>>
        %dma_start3A = tpu.memref_slice %arg3[%add3A_14] : memref<102400xi32, #tpu.memory_space<hbm>> -> memref<128xi32, #tpu.memory_space<hbm>>
        %dma_start3A_20 = tpu.memref_slice %arg3[%add3A_14] : memref<102400xi32, #tpu.memory_space<hbm>> -> memref<128xi32, #tpu.memory_space<hbm>>
        tpu.enqueue_dma source(%dma_start3A_20 : memref<128xi32, #tpu.memory_space<hbm>>) target(%arg6 : memref<128xi32, #tpu.memory_space<vmem>>) target_semaphore(%run_scoped3A : memref<!tpu.dma_semaphore, #tpu.memory_space<semaphore_mem>>)
        %dma_wait3A = tpu.memref_slice %arg3[%add3A_14] : memref<102400xi32, #tpu.memory_space<hbm>> -> memref<128xi32, #tpu.memory_space<hbm>>
        %dma_wait3A_21 = tpu.memref_slice %arg3[%add3A_14] : memref<102400xi32, #tpu.memory_space<hbm>> -> memref<128xi32, #tpu.memory_space<hbm>>
        tpu.wait_dma2 semaphore(%run_scoped3A : memref<!tpu.dma_semaphore, #tpu.memory_space<semaphore_mem>>) src(%dma_wait3A_21 : memref<128xi32, #tpu.memory_space<hbm>>) dst(%arg6 : memref<128xi32, #tpu.memory_space<vmem>>)
        tpu.yield
      }) : () -> ()
      "tpu.region"() ({
        %run_scoped3A = tpu.sem_alloc : memref<!tpu.dma_semaphore, #tpu.memory_space<semaphore_mem>>
        %dma_start3A = tpu.memref_slice %arg4[%add3A_14] : memref<102400xi32, #tpu.memory_space<hbm>> -> memref<128xi32, #tpu.memory_space<hbm>>
        %dma_start3A_20 = tpu.memref_slice %arg4[%add3A_14] : memref<102400xi32, #tpu.memory_space<hbm>> -> memref<128xi32, #tpu.memory_space<hbm>>
        tpu.enqueue_dma source(%dma_start3A_20 : memref<128xi32, #tpu.memory_space<hbm>>) target(%arg7 : memref<128xi32, #tpu.memory_space<vmem>>) target_semaphore(%run_scoped3A : memref<!tpu.dma_semaphore, #tpu.memory_space<semaphore_mem>>)
        %dma_wait3A = tpu.memref_slice %arg4[%add3A_14] : memref<102400xi32, #tpu.memory_space<hbm>> -> memref<128xi32, #tpu.memory_space<hbm>>
        %dma_wait3A_21 = tpu.memref_slice %arg4[%add3A_14] : memref<102400xi32, #tpu.memory_space<hbm>> -> memref<128xi32, #tpu.memory_space<hbm>>
        tpu.wait_dma2 semaphore(%run_scoped3A : memref<!tpu.dma_semaphore, #tpu.memory_space<semaphore_mem>>) src(%dma_wait3A_21 : memref<128xi32, #tpu.memory_space<hbm>>) dst(%arg7 : memref<128xi32, #tpu.memory_space<vmem>>)
        tpu.yield
      }) : () -> ()
      "tpu.region"() ({
        %run_scoped3A = tpu.sem_alloc : memref<!tpu.dma_semaphore, #tpu.memory_space<semaphore_mem>>
        %dma_start3A = arith.constant 0 : i32
        %dma_start3A_20 = arith.constant 0 : i32
        %dma_start3A_21 = tpu.memref_slice %arg2[%dma_start3A, %dma_start3A_20] : memref<10112x128xf32, #tpu.memory_space<hbm>> -> memref<10112x128xf32, #tpu.memory_space<hbm>>
        tpu.enqueue_indirect_dma source(%dma_start3A_21 : memref<10112x128xf32, #tpu.memory_space<hbm>>) target(%arg8 : memref<128x128xf32, #tpu.memory_space<vmem>>) offsets(%arg6 : memref<128xi32, #tpu.memory_space<vmem>>) semaphore(%run_scoped3A : memref<!tpu.dma_semaphore, #tpu.memory_space<semaphore_mem>>)
        %dma_wait3A = arith.constant 0 : i32
        %dma_wait3A_22 = arith.constant 0 : i32
        %dma_wait3A_23 = tpu.memref_slice %arg2[%dma_wait3A, %dma_wait3A_22] : memref<10112x128xf32, #tpu.memory_space<hbm>> -> memref<10112x128xf32, #tpu.memory_space<hbm>>
        tpu.wait_indirect_dma semaphore(%run_scoped3A : memref<!tpu.dma_semaphore, #tpu.memory_space<semaphore_mem>>) src(%dma_wait3A_23 : memref<10112x128xf32, #tpu.memory_space<hbm>>) dst(%arg8 : memref<128x128xf32, #tpu.memory_space<vmem>>)
        tpu.yield
      }) : () -> ()
      "tpu.region"() ({
        %run_scoped3A = tpu.sem_alloc : memref<!tpu.dma_semaphore, #tpu.memory_space<semaphore_mem>>
        %dma_start3A = arith.constant 0 : i32
        %dma_start3A_20 = arith.constant 0 : i32
        %dma_start3A_21 = tpu.memref_slice %arg2[%dma_start3A, %dma_start3A_20] : memref<10112x128xf32, #tpu.memory_space<hbm>> -> memref<10112x128xf32, #tpu.memory_space<hbm>>
        tpu.enqueue_indirect_dma source(%dma_start3A_21 : memref<10112x128xf32, #tpu.memory_space<hbm>>) target(%arg9 : memref<128x128xf32, #tpu.memory_space<vmem>>) offsets(%arg7 : memref<128xi32, #tpu.memory_space<vmem>>) semaphore(%run_scoped3A : memref<!tpu.dma_semaphore, #tpu.memory_space<semaphore_mem>>)
        %dma_wait3A = arith.constant 0 : i32
        %dma_wait3A_22 = arith.constant 0 : i32
        %dma_wait3A_23 = tpu.memref_slice %arg2[%dma_wait3A, %dma_wait3A_22] : memref<10112x128xf32, #tpu.memory_space<hbm>> -> memref<10112x128xf32, #tpu.memory_space<hbm>>
        tpu.wait_indirect_dma semaphore(%run_scoped3A : memref<!tpu.dma_semaphore, #tpu.memory_space<semaphore_mem>>) src(%dma_wait3A_23 : memref<10112x128xf32, #tpu.memory_space<hbm>>) dst(%arg9 : memref<128x128xf32, #tpu.memory_space<vmem>>)
        tpu.yield
      }) : () -> ()
      %scan3A_15 = arith.constant 0 : i32
      %scan3A_16 = arith.constant 128 : i32
      %scan3A_17 = arith.addi %scan3A_15, %scan3A_16 : i32
      %scan3A_18 = arith.constant 1 : i32
      scf.for %scan3A_20 = %scan3A_15 to %scan3A_17 step %scan3A_18  : i32 {
        %mul3A_21 = arith.constant 1 : i32
        %mul3A_22 = arith.muli %scan3A_20, %mul3A_21 : i32
        %add3A_23 = arith.constant 0 : i32
        %add3A_24 = arith.addi %add3A_23, %mul3A_22 : i32
        %get3A = arith.index_cast %add3A_24 : i32 to index
        %get3A_25 = arith.constant 0 : index
        %get3A_26 = tpu.vector_load %arg8[%get3A, %get3A_25] {strides = array<i32>} : memref<128x128xf32, #tpu.memory_space<vmem>>, vector<16xf32>,
        %get3A_27 = arith.index_cast %add3A_24 : i32 to index
        %get3A_28 = arith.constant 64 : index
        %get3A_29 = tpu.vector_load %arg9[%get3A_27, %get3A_28] {strides = array<i32>} : memref<128x128xf32, #tpu.memory_space<vmem>>, vector<16xf32>,
        %add3A_30 = arith.addf %get3A_26, %get3A_29 : vector<16xf32>
        %swap3A = arith.index_cast %add3A_24 : i32 to index
        %swap3A_31 = arith.constant 0 : index
        %swap3A_32 = tpu.vector_load %arg10[%swap3A, %swap3A_31] {strides = array<i32>} : memref<128x64xf32, #tpu.memory_space<vmem>>, vector<16xf32>,
        tpu.vector_store %arg10[%swap3A, %swap3A_31], %add3A_30 {strides = array<i32>} : memref<128x64xf32, #tpu.memory_space<vmem>>, vector<16xf32>,
        %get3A_33 = arith.index_cast %add3A_24 : i32 to index
        %get3A_34 = arith.constant 16 : index
        %get3A_35 = tpu.vector_load %arg8[%get3A_33, %get3A_34] {strides = array<i32>} : memref<128x128xf32, #tpu.memory_space<vmem>>, vector<16xf32>,
        %get3A_36 = arith.index_cast %add3A_24 : i32 to index
        %get3A_37 = arith.constant 80 : index
        %get3A_38 = tpu.vector_load %arg9[%get3A_36, %get3A_37] {strides = array<i32>} : memref<128x128xf32, #tpu.memory_space<vmem>>, vector<16xf32>,
        %add3A_39 = arith.addf %get3A_35, %get3A_38 : vector<16xf32>
        %swap3A_40 = arith.index_cast %add3A_24 : i32 to index
        %swap3A_41 = arith.constant 16 : index
        %swap3A_42 = tpu.vector_load %arg10[%swap3A_40, %swap3A_41] {strides = array<i32>} : memref<128x64xf32, #tpu.memory_space<vmem>>, vector<16xf32>,
        tpu.vector_store %arg10[%swap3A_40, %swap3A_41], %add3A_39 {strides = array<i32>} : memref<128x64xf32, #tpu.memory_space<vmem>>, vector<16xf32>,
        %get3A_43 = arith.index_cast %add3A_24 : i32 to index
        %get3A_44 = arith.constant 32 : index
        %get3A_45 = tpu.vector_load %arg8[%get3A_43, %get3A_44] {strides = array<i32>} : memref<128x128xf32, #tpu.memory_space<vmem>>, vector<16xf32>,
        %get3A_46 = arith.index_cast %add3A_24 : i32 to index
        %get3A_47 = arith.constant 96 : index
        %get3A_48 = tpu.vector_load %arg9[%get3A_46, %get3A_47] {strides = array<i32>} : memref<128x128xf32, #tpu.memory_space<vmem>>, vector<16xf32>,
        %add3A_49 = arith.addf %get3A_45, %get3A_48 : vector<16xf32>
        %swap3A_50 = arith.index_cast %add3A_24 : i32 to index
        %swap3A_51 = arith.constant 32 : index
        %swap3A_52 = tpu.vector_load %arg10[%swap3A_50, %swap3A_51] {strides = array<i32>} : memref<128x64xf32, #tpu.memory_space<vmem>>, vector<16xf32>,
        tpu.vector_store %arg10[%swap3A_50, %swap3A_51], %add3A_49 {strides = array<i32>} : memref<128x64xf32, #tpu.memory_space<vmem>>, vector<16xf32>,
        %get3A_53 = arith.index_cast %add3A_24 : i32 to index
        %get3A_54 = arith.constant 48 : index
        %get3A_55 = tpu.vector_load %arg8[%get3A_53, %get3A_54] {strides = array<i32>} : memref<128x128xf32, #tpu.memory_space<vmem>>, vector<16xf32>,
        %get3A_56 = arith.index_cast %add3A_24 : i32 to index
        %get3A_57 = arith.constant 112 : index
        %get3A_58 = tpu.vector_load %arg9[%get3A_56, %get3A_57] {strides = array<i32>} : memref<128x128xf32, #tpu.memory_space<vmem>>, vector<16xf32>,
        %add3A_59 = arith.addf %get3A_55, %get3A_58 : vector<16xf32>
        %swap3A_60 = arith.index_cast %add3A_24 : i32 to index
        %swap3A_61 = arith.constant 48 : index
        %swap3A_62 = tpu.vector_load %arg10[%swap3A_60, %swap3A_61] {strides = array<i32>} : memref<128x64xf32, #tpu.memory_space<vmem>>, vector<16xf32>,
        tpu.vector_store %arg10[%swap3A_60, %swap3A_61], %add3A_59 {strides = array<i32>} : memref<128x64xf32, #tpu.memory_space<vmem>>, vector<16xf32>,
      }
      %scan3A_19 = arith.constant 128 : i32
      "tpu.region"() ({
        %run_scoped3A = tpu.sem_alloc : memref<!tpu.dma_semaphore, #tpu.memory_space<semaphore_mem>>
        %dma_start3A = arith.constant 0 : i32
        %dma_start3A_20 = tpu.memref_slice %arg5[%add3A_14, %dma_start3A] : memref<102400x64xf32, #tpu.memory_space<hbm>> -> memref<128x64xf32, #tpu.memory_space<hbm>>
        %dma_start3A_21 = arith.constant 0 : i32
        %dma_start3A_22 = tpu.memref_slice %arg5[%add3A_14, %dma_start3A_21] : memref<102400x64xf32, #tpu.memory_space<hbm>> -> memref<128x64xf32, #tpu.memory_space<hbm>>
        tpu.enqueue_dma source(%arg10 : memref<128x64xf32, #tpu.memory_space<vmem>>) target(%dma_start3A_22 : memref<128x64xf32, #tpu.memory_space<hbm>>) target_semaphore(%run_scoped3A : memref<!tpu.dma_semaphore, #tpu.memory_space<semaphore_mem>>)
        %dma_wait3A = arith.constant 0 : i32
        %dma_wait3A_23 = tpu.memref_slice %arg5[%add3A_14, %dma_wait3A] : memref<102400x64xf32, #tpu.memory_space<hbm>> -> memref<128x64xf32, #tpu.memory_space<hbm>>
        %dma_wait3A_24 = arith.constant 0 : i32
        %dma_wait3A_25 = tpu.memref_slice %arg5[%add3A_14, %dma_wait3A_24] : memref<102400x64xf32, #tpu.memory_space<hbm>> -> memref<128x64xf32, #tpu.memory_space<hbm>>
        tpu.wait_dma2 semaphore(%run_scoped3A : memref<!tpu.dma_semaphore, #tpu.memory_space<semaphore_mem>>) src(%arg10 : memref<128x64xf32, #tpu.memory_space<vmem>>) dst(%dma_wait3A_25 : memref<128x64xf32, #tpu.memory_space<hbm>>)
        tpu.yield
      }) : () -> ()
    }
    %scan3A_4 = arith.constant 25 : i32
    return
  }
}

#map = affine_map<(d0, d1) -> (0, 0)>
#map1 = affine_map<(d0, d1) -> (0)>
#map2 = affine_map<(d0, d1) -> (0, 0, 0)>
module attributes {stable_mosaic.version = 14 : i64} {
  func.func @spmm_kernel(%arg0: i32, %arg1: i32, %arg2: memref<10112x128xf32, #tpu.memory_space<hbm>>, %arg3: memref<323584xi32, #tpu.memory_space<hbm>>, %arg4: memref<323584xi32, #tpu.memory_space<hbm>>, %arg5: memref<323584xf32, #tpu.memory_space<hbm>>, %arg6: memref<2x10112x128xf32, #tpu.memory_space<hbm>>, %arg7: memref<128xi32, #tpu.memory_space<vmem>>, %arg8: memref<128xi32, #tpu.memory_space<vmem>>, %arg9: memref<128xf32, #tpu.memory_space<vmem>>, %arg10: memref<128x128xf32, #tpu.memory_space<vmem>>, %arg11: memref<10112x128xf32, #tpu.memory_space<vmem_shared>>) attributes {dimension_semantics = [#tpu.dimension_semantics<core_parallel>, #tpu.dimension_semantics<subcore_parallel>], iteration_bounds = array<i64: 2, 16>, scalar_prefetch = 0 : i64, scratch_operands = 5 : i64, tpu.core_type = #tpu.core_type<sc_vector_subcore>, window_params = [{transform_indices = #map}, {transform_indices = #map1}, {transform_indices = #map1}, {transform_indices = #map1}, {transform_indices = #map2}]} {
    %mul3A = arith.constant 16 : i32
    %mul3A_0 = arith.muli %arg0, %mul3A : i32
    %add3A = arith.addi %mul3A_0, %arg1 : i32
    %mul3A_1 = arith.constant 632 : i32
    %mul3A_2 = arith.muli %arg1, %mul3A_1 : i32
    %broadcast_in_dim3A = arith.constant 0.000000e+00 : f32
    %broadcast_in_dim3A_3 = vector.broadcast %broadcast_in_dim3A : f32 to vector<16xf32>
    %scan3A = arith.constant 0 : i32
    %scan3A_4 = arith.constant 128 : i32
    %scan3A_5 = arith.addi %scan3A, %scan3A_4 : i32
    %scan3A_6 = arith.constant 1 : i32
    scf.for %scan3A_24 = %scan3A to %scan3A_5 step %scan3A_6  : i32 {
      %mul3A_25 = arith.constant 1 : i32
      %mul3A_26 = arith.muli %scan3A_24, %mul3A_25 : i32
      %add3A_27 = arith.constant 0 : i32
      %add3A_28 = arith.addi %add3A_27, %mul3A_26 : i32
      %swap3A = arith.index_cast %add3A_28 : i32 to index
      %swap3A_29 = arith.constant 0 : index
      %swap3A_30 = tpu.vector_load %arg10[%swap3A, %swap3A_29] {strides = array<i32>} : memref<128x128xf32, #tpu.memory_space<vmem>>, vector<16xf32>,
      tpu.vector_store %arg10[%swap3A, %swap3A_29], %broadcast_in_dim3A_3 {strides = array<i32>} : memref<128x128xf32, #tpu.memory_space<vmem>>, vector<16xf32>,
      %swap3A_31 = arith.index_cast %add3A_28 : i32 to index
      %swap3A_32 = arith.constant 16 : index
      %swap3A_33 = tpu.vector_load %arg10[%swap3A_31, %swap3A_32] {strides = array<i32>} : memref<128x128xf32, #tpu.memory_space<vmem>>, vector<16xf32>,
      tpu.vector_store %arg10[%swap3A_31, %swap3A_32], %broadcast_in_dim3A_3 {strides = array<i32>} : memref<128x128xf32, #tpu.memory_space<vmem>>, vector<16xf32>,
      %swap3A_34 = arith.index_cast %add3A_28 : i32 to index
      %swap3A_35 = arith.constant 32 : index
      %swap3A_36 = tpu.vector_load %arg10[%swap3A_34, %swap3A_35] {strides = array<i32>} : memref<128x128xf32, #tpu.memory_space<vmem>>, vector<16xf32>,
      tpu.vector_store %arg10[%swap3A_34, %swap3A_35], %broadcast_in_dim3A_3 {strides = array<i32>} : memref<128x128xf32, #tpu.memory_space<vmem>>, vector<16xf32>,
      %swap3A_37 = arith.index_cast %add3A_28 : i32 to index
      %swap3A_38 = arith.constant 48 : index
      %swap3A_39 = tpu.vector_load %arg10[%swap3A_37, %swap3A_38] {strides = array<i32>} : memref<128x128xf32, #tpu.memory_space<vmem>>, vector<16xf32>,
      tpu.vector_store %arg10[%swap3A_37, %swap3A_38], %broadcast_in_dim3A_3 {strides = array<i32>} : memref<128x128xf32, #tpu.memory_space<vmem>>, vector<16xf32>,
      %swap3A_40 = arith.index_cast %add3A_28 : i32 to index
      %swap3A_41 = arith.constant 64 : index
      %swap3A_42 = tpu.vector_load %arg10[%swap3A_40, %swap3A_41] {strides = array<i32>} : memref<128x128xf32, #tpu.memory_space<vmem>>, vector<16xf32>,
      tpu.vector_store %arg10[%swap3A_40, %swap3A_41], %broadcast_in_dim3A_3 {strides = array<i32>} : memref<128x128xf32, #tpu.memory_space<vmem>>, vector<16xf32>,
      %swap3A_43 = arith.index_cast %add3A_28 : i32 to index
      %swap3A_44 = arith.constant 80 : index
      %swap3A_45 = tpu.vector_load %arg10[%swap3A_43, %swap3A_44] {strides = array<i32>} : memref<128x128xf32, #tpu.memory_space<vmem>>, vector<16xf32>,
      tpu.vector_store %arg10[%swap3A_43, %swap3A_44], %broadcast_in_dim3A_3 {strides = array<i32>} : memref<128x128xf32, #tpu.memory_space<vmem>>, vector<16xf32>,
      %swap3A_46 = arith.index_cast %add3A_28 : i32 to index
      %swap3A_47 = arith.constant 96 : index
      %swap3A_48 = tpu.vector_load %arg10[%swap3A_46, %swap3A_47] {strides = array<i32>} : memref<128x128xf32, #tpu.memory_space<vmem>>, vector<16xf32>,
      tpu.vector_store %arg10[%swap3A_46, %swap3A_47], %broadcast_in_dim3A_3 {strides = array<i32>} : memref<128x128xf32, #tpu.memory_space<vmem>>, vector<16xf32>,
      %swap3A_49 = arith.index_cast %add3A_28 : i32 to index
      %swap3A_50 = arith.constant 112 : index
      %swap3A_51 = tpu.vector_load %arg10[%swap3A_49, %swap3A_50] {strides = array<i32>} : memref<128x128xf32, #tpu.memory_space<vmem>>, vector<16xf32>,
      tpu.vector_store %arg10[%swap3A_49, %swap3A_50], %broadcast_in_dim3A_3 {strides = array<i32>} : memref<128x128xf32, #tpu.memory_space<vmem>>, vector<16xf32>,
    }
    %scan3A_7 = arith.constant 128 : i32
    %add3A_8 = arith.constant 0 : i32
    %add3A_9 = arith.addi %mul3A_2, %add3A_8 : i32
    "tpu.region"() ({
      %run_scoped3A = tpu.sem_alloc : memref<!tpu.dma_semaphore, #tpu.memory_space<semaphore_mem>>
      %dma_start3A = arith.constant 0 : i32
      %dma_start3A_24 = tpu.memref_slice %arg11[%add3A_9, %dma_start3A] : memref<10112x128xf32, #tpu.memory_space<vmem_shared>> -> memref<128x128xf32, #tpu.memory_space<vmem_shared>>
      %dma_start3A_25 = arith.constant 0 : i32
      %dma_start3A_26 = tpu.memref_slice %arg11[%add3A_9, %dma_start3A_25] : memref<10112x128xf32, #tpu.memory_space<vmem_shared>> -> memref<128x128xf32, #tpu.memory_space<vmem_shared>>
      tpu.enqueue_dma source(%arg10 : memref<128x128xf32, #tpu.memory_space<vmem>>) target(%dma_start3A_26 : memref<128x128xf32, #tpu.memory_space<vmem_shared>>) target_semaphore(%run_scoped3A : memref<!tpu.dma_semaphore, #tpu.memory_space<semaphore_mem>>)
      %dma_wait3A = arith.constant 0 : i32
      %dma_wait3A_27 = tpu.memref_slice %arg11[%add3A_9, %dma_wait3A] : memref<10112x128xf32, #tpu.memory_space<vmem_shared>> -> memref<128x128xf32, #tpu.memory_space<vmem_shared>>
      %dma_wait3A_28 = arith.constant 0 : i32
      %dma_wait3A_29 = tpu.memref_slice %arg11[%add3A_9, %dma_wait3A_28] : memref<10112x128xf32, #tpu.memory_space<vmem_shared>> -> memref<128x128xf32, #tpu.memory_space<vmem_shared>>
      tpu.wait_dma2 semaphore(%run_scoped3A : memref<!tpu.dma_semaphore, #tpu.memory_space<semaphore_mem>>) src(%arg10 : memref<128x128xf32, #tpu.memory_space<vmem>>) dst(%dma_wait3A_29 : memref<128x128xf32, #tpu.memory_space<vmem_shared>>)
      tpu.yield
    }) : () -> ()
    %add3A_10 = arith.constant 128 : i32
    %add3A_11 = arith.addi %mul3A_2, %add3A_10 : i32
    "tpu.region"() ({
      %run_scoped3A = tpu.sem_alloc : memref<!tpu.dma_semaphore, #tpu.memory_space<semaphore_mem>>
      %dma_start3A = arith.constant 0 : i32
      %dma_start3A_24 = tpu.memref_slice %arg11[%add3A_11, %dma_start3A] : memref<10112x128xf32, #tpu.memory_space<vmem_shared>> -> memref<128x128xf32, #tpu.memory_space<vmem_shared>>
      %dma_start3A_25 = arith.constant 0 : i32
      %dma_start3A_26 = tpu.memref_slice %arg11[%add3A_11, %dma_start3A_25] : memref<10112x128xf32, #tpu.memory_space<vmem_shared>> -> memref<128x128xf32, #tpu.memory_space<vmem_shared>>
      tpu.enqueue_dma source(%arg10 : memref<128x128xf32, #tpu.memory_space<vmem>>) target(%dma_start3A_26 : memref<128x128xf32, #tpu.memory_space<vmem_shared>>) target_semaphore(%run_scoped3A : memref<!tpu.dma_semaphore, #tpu.memory_space<semaphore_mem>>)
      %dma_wait3A = arith.constant 0 : i32
      %dma_wait3A_27 = tpu.memref_slice %arg11[%add3A_11, %dma_wait3A] : memref<10112x128xf32, #tpu.memory_space<vmem_shared>> -> memref<128x128xf32, #tpu.memory_space<vmem_shared>>
      %dma_wait3A_28 = arith.constant 0 : i32
      %dma_wait3A_29 = tpu.memref_slice %arg11[%add3A_11, %dma_wait3A_28] : memref<10112x128xf32, #tpu.memory_space<vmem_shared>> -> memref<128x128xf32, #tpu.memory_space<vmem_shared>>
      tpu.wait_dma2 semaphore(%run_scoped3A : memref<!tpu.dma_semaphore, #tpu.memory_space<semaphore_mem>>) src(%arg10 : memref<128x128xf32, #tpu.memory_space<vmem>>) dst(%dma_wait3A_29 : memref<128x128xf32, #tpu.memory_space<vmem_shared>>)
      tpu.yield
    }) : () -> ()
    %add3A_12 = arith.constant 256 : i32
    %add3A_13 = arith.addi %mul3A_2, %add3A_12 : i32
    "tpu.region"() ({
      %run_scoped3A = tpu.sem_alloc : memref<!tpu.dma_semaphore, #tpu.memory_space<semaphore_mem>>
      %dma_start3A = arith.constant 0 : i32
      %dma_start3A_24 = tpu.memref_slice %arg11[%add3A_13, %dma_start3A] : memref<10112x128xf32, #tpu.memory_space<vmem_shared>> -> memref<128x128xf32, #tpu.memory_space<vmem_shared>>
      %dma_start3A_25 = arith.constant 0 : i32
      %dma_start3A_26 = tpu.memref_slice %arg11[%add3A_13, %dma_start3A_25] : memref<10112x128xf32, #tpu.memory_space<vmem_shared>> -> memref<128x128xf32, #tpu.memory_space<vmem_shared>>
      tpu.enqueue_dma source(%arg10 : memref<128x128xf32, #tpu.memory_space<vmem>>) target(%dma_start3A_26 : memref<128x128xf32, #tpu.memory_space<vmem_shared>>) target_semaphore(%run_scoped3A : memref<!tpu.dma_semaphore, #tpu.memory_space<semaphore_mem>>)
      %dma_wait3A = arith.constant 0 : i32
      %dma_wait3A_27 = tpu.memref_slice %arg11[%add3A_13, %dma_wait3A] : memref<10112x128xf32, #tpu.memory_space<vmem_shared>> -> memref<128x128xf32, #tpu.memory_space<vmem_shared>>
      %dma_wait3A_28 = arith.constant 0 : i32
      %dma_wait3A_29 = tpu.memref_slice %arg11[%add3A_13, %dma_wait3A_28] : memref<10112x128xf32, #tpu.memory_space<vmem_shared>> -> memref<128x128xf32, #tpu.memory_space<vmem_shared>>
      tpu.wait_dma2 semaphore(%run_scoped3A : memref<!tpu.dma_semaphore, #tpu.memory_space<semaphore_mem>>) src(%arg10 : memref<128x128xf32, #tpu.memory_space<vmem>>) dst(%dma_wait3A_29 : memref<128x128xf32, #tpu.memory_space<vmem_shared>>)
      tpu.yield
    }) : () -> ()
    %add3A_14 = arith.constant 384 : i32
    %add3A_15 = arith.addi %mul3A_2, %add3A_14 : i32
    "tpu.region"() ({
      %run_scoped3A = tpu.sem_alloc : memref<!tpu.dma_semaphore, #tpu.memory_space<semaphore_mem>>
      %dma_start3A = arith.constant 0 : i32
      %dma_start3A_24 = tpu.memref_slice %arg11[%add3A_15, %dma_start3A] : memref<10112x128xf32, #tpu.memory_space<vmem_shared>> -> memref<128x128xf32, #tpu.memory_space<vmem_shared>>
      %dma_start3A_25 = arith.constant 0 : i32
      %dma_start3A_26 = tpu.memref_slice %arg11[%add3A_15, %dma_start3A_25] : memref<10112x128xf32, #tpu.memory_space<vmem_shared>> -> memref<128x128xf32, #tpu.memory_space<vmem_shared>>
      tpu.enqueue_dma source(%arg10 : memref<128x128xf32, #tpu.memory_space<vmem>>) target(%dma_start3A_26 : memref<128x128xf32, #tpu.memory_space<vmem_shared>>) target_semaphore(%run_scoped3A : memref<!tpu.dma_semaphore, #tpu.memory_space<semaphore_mem>>)
      %dma_wait3A = arith.constant 0 : i32
      %dma_wait3A_27 = tpu.memref_slice %arg11[%add3A_15, %dma_wait3A] : memref<10112x128xf32, #tpu.memory_space<vmem_shared>> -> memref<128x128xf32, #tpu.memory_space<vmem_shared>>
      %dma_wait3A_28 = arith.constant 0 : i32
      %dma_wait3A_29 = tpu.memref_slice %arg11[%add3A_15, %dma_wait3A_28] : memref<10112x128xf32, #tpu.memory_space<vmem_shared>> -> memref<128x128xf32, #tpu.memory_space<vmem_shared>>
      tpu.wait_dma2 semaphore(%run_scoped3A : memref<!tpu.dma_semaphore, #tpu.memory_space<semaphore_mem>>) src(%arg10 : memref<128x128xf32, #tpu.memory_space<vmem>>) dst(%dma_wait3A_29 : memref<128x128xf32, #tpu.memory_space<vmem_shared>>)
      tpu.yield
    }) : () -> ()
    %add3A_16 = arith.constant 512 : i32
    %add3A_17 = arith.addi %mul3A_2, %add3A_16 : i32
    "tpu.region"() ({
      %run_scoped3A = tpu.sem_alloc : memref<!tpu.dma_semaphore, #tpu.memory_space<semaphore_mem>>
      %dma_start3A = arith.constant 0 : i32
      %dma_start3A_24 = arith.constant 0 : i32
      %dma_start3A_25 = tpu.memref_slice %arg10[%dma_start3A, %dma_start3A_24] : memref<128x128xf32, #tpu.memory_space<vmem>> -> memref<120x128xf32, #tpu.memory_space<vmem>>
      %dma_start3A_26 = arith.constant 0 : i32
      %dma_start3A_27 = tpu.memref_slice %arg11[%add3A_17, %dma_start3A_26] : memref<10112x128xf32, #tpu.memory_space<vmem_shared>> -> memref<120x128xf32, #tpu.memory_space<vmem_shared>>
      %dma_start3A_28 = arith.constant 0 : i32
      %dma_start3A_29 = tpu.memref_slice %arg11[%add3A_17, %dma_start3A_28] : memref<10112x128xf32, #tpu.memory_space<vmem_shared>> -> memref<120x128xf32, #tpu.memory_space<vmem_shared>>
      %dma_start3A_30 = arith.constant 0 : i32
      %dma_start3A_31 = arith.constant 0 : i32
      %dma_start3A_32 = tpu.memref_slice %arg10[%dma_start3A_30, %dma_start3A_31] : memref<128x128xf32, #tpu.memory_space<vmem>> -> memref<120x128xf32, #tpu.memory_space<vmem>>
      tpu.enqueue_dma source(%dma_start3A_32 : memref<120x128xf32, #tpu.memory_space<vmem>>) target(%dma_start3A_29 : memref<120x128xf32, #tpu.memory_space<vmem_shared>>) target_semaphore(%run_scoped3A : memref<!tpu.dma_semaphore, #tpu.memory_space<semaphore_mem>>)
      %dma_wait3A = arith.constant 0 : i32
      %dma_wait3A_33 = arith.constant 0 : i32
      %dma_wait3A_34 = tpu.memref_slice %arg10[%dma_wait3A, %dma_wait3A_33] : memref<128x128xf32, #tpu.memory_space<vmem>> -> memref<120x128xf32, #tpu.memory_space<vmem>>
      %dma_wait3A_35 = arith.constant 0 : i32
      %dma_wait3A_36 = tpu.memref_slice %arg11[%add3A_17, %dma_wait3A_35] : memref<10112x128xf32, #tpu.memory_space<vmem_shared>> -> memref<120x128xf32, #tpu.memory_space<vmem_shared>>
      %dma_wait3A_37 = arith.constant 0 : i32
      %dma_wait3A_38 = tpu.memref_slice %arg11[%add3A_17, %dma_wait3A_37] : memref<10112x128xf32, #tpu.memory_space<vmem_shared>> -> memref<120x128xf32, #tpu.memory_space<vmem_shared>>
      %dma_wait3A_39 = arith.constant 0 : i32
      %dma_wait3A_40 = arith.constant 0 : i32
      %dma_wait3A_41 = tpu.memref_slice %arg10[%dma_wait3A_39, %dma_wait3A_40] : memref<128x128xf32, #tpu.memory_space<vmem>> -> memref<120x128xf32, #tpu.memory_space<vmem>>
      tpu.wait_dma2 semaphore(%run_scoped3A : memref<!tpu.dma_semaphore, #tpu.memory_space<semaphore_mem>>) src(%dma_wait3A_41 : memref<120x128xf32, #tpu.memory_space<vmem>>) dst(%dma_wait3A_38 : memref<120x128xf32, #tpu.memory_space<vmem_shared>>)
      tpu.yield
    }) : () -> ()
    %barrier3A = arith.constant 0 : index
    tpu.barrier barrier_id(%barrier3A)
    %scan3A_18 = arith.constant 0 : i32
    %scan3A_19 = arith.constant 79 : i32
    %scan3A_20 = arith.addi %scan3A_18, %scan3A_19 : i32
    %scan3A_21 = arith.constant 1 : i32
    scf.for %scan3A_24 = %scan3A_18 to %scan3A_20 step %scan3A_21  : i32 {
      %mul3A_25 = arith.constant 1 : i32
      %mul3A_26 = arith.muli %scan3A_24, %mul3A_25 : i32
      %add3A_27 = arith.constant 0 : i32
      %add3A_28 = arith.addi %add3A_27, %mul3A_26 : i32
      %mul3A_29 = arith.constant 10112 : i32
      %mul3A_30 = arith.muli %add3A, %mul3A_29 : i32
      %mul3A_31 = arith.constant 128 : i32
      %mul3A_32 = arith.muli %add3A_28, %mul3A_31 : i32
      %add3A_33 = arith.addi %mul3A_30, %mul3A_32 : i32
      "tpu.region"() ({
        %run_scoped3A = tpu.sem_alloc : memref<!tpu.dma_semaphore, #tpu.memory_space<semaphore_mem>>
        %dma_start3A = tpu.memref_slice %arg3[%add3A_33] : memref<323584xi32, #tpu.memory_space<hbm>> -> memref<128xi32, #tpu.memory_space<hbm>>
        %dma_start3A_39 = tpu.memref_slice %arg3[%add3A_33] : memref<323584xi32, #tpu.memory_space<hbm>> -> memref<128xi32, #tpu.memory_space<hbm>>
        tpu.enqueue_dma source(%dma_start3A_39 : memref<128xi32, #tpu.memory_space<hbm>>) target(%arg7 : memref<128xi32, #tpu.memory_space<vmem>>) target_semaphore(%run_scoped3A : memref<!tpu.dma_semaphore, #tpu.memory_space<semaphore_mem>>)
        %dma_wait3A = tpu.memref_slice %arg3[%add3A_33] : memref<323584xi32, #tpu.memory_space<hbm>> -> memref<128xi32, #tpu.memory_space<hbm>>
        %dma_wait3A_40 = tpu.memref_slice %arg3[%add3A_33] : memref<323584xi32, #tpu.memory_space<hbm>> -> memref<128xi32, #tpu.memory_space<hbm>>
        tpu.wait_dma2 semaphore(%run_scoped3A : memref<!tpu.dma_semaphore, #tpu.memory_space<semaphore_mem>>) src(%dma_wait3A_40 : memref<128xi32, #tpu.memory_space<hbm>>) dst(%arg7 : memref<128xi32, #tpu.memory_space<vmem>>)
        tpu.yield
      }) : () -> ()
      "tpu.region"() ({
        %run_scoped3A = tpu.sem_alloc : memref<!tpu.dma_semaphore, #tpu.memory_space<semaphore_mem>>
        %dma_start3A = tpu.memref_slice %arg4[%add3A_33] : memref<323584xi32, #tpu.memory_space<hbm>> -> memref<128xi32, #tpu.memory_space<hbm>>
        %dma_start3A_39 = tpu.memref_slice %arg4[%add3A_33] : memref<323584xi32, #tpu.memory_space<hbm>> -> memref<128xi32, #tpu.memory_space<hbm>>
        tpu.enqueue_dma source(%dma_start3A_39 : memref<128xi32, #tpu.memory_space<hbm>>) target(%arg8 : memref<128xi32, #tpu.memory_space<vmem>>) target_semaphore(%run_scoped3A : memref<!tpu.dma_semaphore, #tpu.memory_space<semaphore_mem>>)
        %dma_wait3A = tpu.memref_slice %arg4[%add3A_33] : memref<323584xi32, #tpu.memory_space<hbm>> -> memref<128xi32, #tpu.memory_space<hbm>>
        %dma_wait3A_40 = tpu.memref_slice %arg4[%add3A_33] : memref<323584xi32, #tpu.memory_space<hbm>> -> memref<128xi32, #tpu.memory_space<hbm>>
        tpu.wait_dma2 semaphore(%run_scoped3A : memref<!tpu.dma_semaphore, #tpu.memory_space<semaphore_mem>>) src(%dma_wait3A_40 : memref<128xi32, #tpu.memory_space<hbm>>) dst(%arg8 : memref<128xi32, #tpu.memory_space<vmem>>)
        tpu.yield
      }) : () -> ()
      "tpu.region"() ({
        %run_scoped3A = tpu.sem_alloc : memref<!tpu.dma_semaphore, #tpu.memory_space<semaphore_mem>>
        %dma_start3A = tpu.memref_slice %arg5[%add3A_33] : memref<323584xf32, #tpu.memory_space<hbm>> -> memref<128xf32, #tpu.memory_space<hbm>>
        %dma_start3A_39 = tpu.memref_slice %arg5[%add3A_33] : memref<323584xf32, #tpu.memory_space<hbm>> -> memref<128xf32, #tpu.memory_space<hbm>>
        tpu.enqueue_dma source(%dma_start3A_39 : memref<128xf32, #tpu.memory_space<hbm>>) target(%arg9 : memref<128xf32, #tpu.memory_space<vmem>>) target_semaphore(%run_scoped3A : memref<!tpu.dma_semaphore, #tpu.memory_space<semaphore_mem>>)
        %dma_wait3A = tpu.memref_slice %arg5[%add3A_33] : memref<323584xf32, #tpu.memory_space<hbm>> -> memref<128xf32, #tpu.memory_space<hbm>>
        %dma_wait3A_40 = tpu.memref_slice %arg5[%add3A_33] : memref<323584xf32, #tpu.memory_space<hbm>> -> memref<128xf32, #tpu.memory_space<hbm>>
        tpu.wait_dma2 semaphore(%run_scoped3A : memref<!tpu.dma_semaphore, #tpu.memory_space<semaphore_mem>>) src(%dma_wait3A_40 : memref<128xf32, #tpu.memory_space<hbm>>) dst(%arg9 : memref<128xf32, #tpu.memory_space<vmem>>)
        tpu.yield
      }) : () -> ()
      "tpu.region"() ({
        %run_scoped3A = tpu.sem_alloc : memref<!tpu.dma_semaphore, #tpu.memory_space<semaphore_mem>>
        %dma_start3A = arith.constant 0 : i32
        %dma_start3A_39 = arith.constant 0 : i32
        %dma_start3A_40 = tpu.memref_slice %arg2[%dma_start3A, %dma_start3A_39] : memref<10112x128xf32, #tpu.memory_space<hbm>> -> memref<10112x128xf32, #tpu.memory_space<hbm>>
        tpu.enqueue_indirect_dma source(%dma_start3A_40 : memref<10112x128xf32, #tpu.memory_space<hbm>>) target(%arg10 : memref<128x128xf32, #tpu.memory_space<vmem>>) offsets(%arg7 : memref<128xi32, #tpu.memory_space<vmem>>) semaphore(%run_scoped3A : memref<!tpu.dma_semaphore, #tpu.memory_space<semaphore_mem>>)
        %dma_wait3A = arith.constant 0 : i32
        %dma_wait3A_41 = arith.constant 0 : i32
        %dma_wait3A_42 = tpu.memref_slice %arg2[%dma_wait3A, %dma_wait3A_41] : memref<10112x128xf32, #tpu.memory_space<hbm>> -> memref<10112x128xf32, #tpu.memory_space<hbm>>
        tpu.wait_indirect_dma semaphore(%run_scoped3A : memref<!tpu.dma_semaphore, #tpu.memory_space<semaphore_mem>>) src(%dma_wait3A_42 : memref<10112x128xf32, #tpu.memory_space<hbm>>) dst(%arg10 : memref<128x128xf32, #tpu.memory_space<vmem>>)
        tpu.yield
      }) : () -> ()
      %scan3A_34 = arith.constant 0 : i32
      %scan3A_35 = arith.constant 128 : i32
      %scan3A_36 = arith.addi %scan3A_34, %scan3A_35 : i32
      %scan3A_37 = arith.constant 1 : i32
      scf.for %scan3A_39 = %scan3A_34 to %scan3A_36 step %scan3A_37  : i32 {
        %mul3A_40 = arith.constant 1 : i32
        %mul3A_41 = arith.muli %scan3A_39, %mul3A_40 : i32
        %add3A_42 = arith.constant 0 : i32
        %add3A_43 = arith.addi %add3A_42, %mul3A_41 : i32
        %broadcast_in_dim3A_44 = vector.broadcast %add3A_43 : i32 to vector<16xi32>
        %gather3A = tpu.vector_load_idx %arg9[%broadcast_in_dim3A_44] : memref<128xf32, #tpu.memory_space<vmem>>[vector<16xi32>], vector<16xf32>,
        %get3A = arith.index_cast %add3A_43 : i32 to index
        %get3A_45 = arith.constant 0 : index
        %get3A_46 = tpu.vector_load %arg10[%get3A, %get3A_45] {strides = array<i32>} : memref<128x128xf32, #tpu.memory_space<vmem>>, vector<16xf32>,
        %mul3A_47 = arith.mulf %get3A_46, %gather3A : vector<16xf32>
        %swap3A = arith.index_cast %add3A_43 : i32 to index
        %swap3A_48 = arith.constant 0 : index
        %swap3A_49 = tpu.vector_load %arg10[%swap3A, %swap3A_48] {strides = array<i32>} : memref<128x128xf32, #tpu.memory_space<vmem>>, vector<16xf32>,
        tpu.vector_store %arg10[%swap3A, %swap3A_48], %mul3A_47 {strides = array<i32>} : memref<128x128xf32, #tpu.memory_space<vmem>>, vector<16xf32>,
        %get3A_50 = arith.index_cast %add3A_43 : i32 to index
        %get3A_51 = arith.constant 16 : index
        %get3A_52 = tpu.vector_load %arg10[%get3A_50, %get3A_51] {strides = array<i32>} : memref<128x128xf32, #tpu.memory_space<vmem>>, vector<16xf32>,
        %mul3A_53 = arith.mulf %get3A_52, %gather3A : vector<16xf32>
        %swap3A_54 = arith.index_cast %add3A_43 : i32 to index
        %swap3A_55 = arith.constant 16 : index
        %swap3A_56 = tpu.vector_load %arg10[%swap3A_54, %swap3A_55] {strides = array<i32>} : memref<128x128xf32, #tpu.memory_space<vmem>>, vector<16xf32>,
        tpu.vector_store %arg10[%swap3A_54, %swap3A_55], %mul3A_53 {strides = array<i32>} : memref<128x128xf32, #tpu.memory_space<vmem>>, vector<16xf32>,
        %get3A_57 = arith.index_cast %add3A_43 : i32 to index
        %get3A_58 = arith.constant 32 : index
        %get3A_59 = tpu.vector_load %arg10[%get3A_57, %get3A_58] {strides = array<i32>} : memref<128x128xf32, #tpu.memory_space<vmem>>, vector<16xf32>,
        %mul3A_60 = arith.mulf %get3A_59, %gather3A : vector<16xf32>
        %swap3A_61 = arith.index_cast %add3A_43 : i32 to index
        %swap3A_62 = arith.constant 32 : index
        %swap3A_63 = tpu.vector_load %arg10[%swap3A_61, %swap3A_62] {strides = array<i32>} : memref<128x128xf32, #tpu.memory_space<vmem>>, vector<16xf32>,
        tpu.vector_store %arg10[%swap3A_61, %swap3A_62], %mul3A_60 {strides = array<i32>} : memref<128x128xf32, #tpu.memory_space<vmem>>, vector<16xf32>,
        %get3A_64 = arith.index_cast %add3A_43 : i32 to index
        %get3A_65 = arith.constant 48 : index
        %get3A_66 = tpu.vector_load %arg10[%get3A_64, %get3A_65] {strides = array<i32>} : memref<128x128xf32, #tpu.memory_space<vmem>>, vector<16xf32>,
        %mul3A_67 = arith.mulf %get3A_66, %gather3A : vector<16xf32>
        %swap3A_68 = arith.index_cast %add3A_43 : i32 to index
        %swap3A_69 = arith.constant 48 : index
        %swap3A_70 = tpu.vector_load %arg10[%swap3A_68, %swap3A_69] {strides = array<i32>} : memref<128x128xf32, #tpu.memory_space<vmem>>, vector<16xf32>,
        tpu.vector_store %arg10[%swap3A_68, %swap3A_69], %mul3A_67 {strides = array<i32>} : memref<128x128xf32, #tpu.memory_space<vmem>>, vector<16xf32>,
        %get3A_71 = arith.index_cast %add3A_43 : i32 to index
        %get3A_72 = arith.constant 64 : index
        %get3A_73 = tpu.vector_load %arg10[%get3A_71, %get3A_72] {strides = array<i32>} : memref<128x128xf32, #tpu.memory_space<vmem>>, vector<16xf32>,
        %mul3A_74 = arith.mulf %get3A_73, %gather3A : vector<16xf32>
        %swap3A_75 = arith.index_cast %add3A_43 : i32 to index
        %swap3A_76 = arith.constant 64 : index
        %swap3A_77 = tpu.vector_load %arg10[%swap3A_75, %swap3A_76] {strides = array<i32>} : memref<128x128xf32, #tpu.memory_space<vmem>>, vector<16xf32>,
        tpu.vector_store %arg10[%swap3A_75, %swap3A_76], %mul3A_74 {strides = array<i32>} : memref<128x128xf32, #tpu.memory_space<vmem>>, vector<16xf32>,
        %get3A_78 = arith.index_cast %add3A_43 : i32 to index
        %get3A_79 = arith.constant 80 : index
        %get3A_80 = tpu.vector_load %arg10[%get3A_78, %get3A_79] {strides = array<i32>} : memref<128x128xf32, #tpu.memory_space<vmem>>, vector<16xf32>,
        %mul3A_81 = arith.mulf %get3A_80, %gather3A : vector<16xf32>
        %swap3A_82 = arith.index_cast %add3A_43 : i32 to index
        %swap3A_83 = arith.constant 80 : index
        %swap3A_84 = tpu.vector_load %arg10[%swap3A_82, %swap3A_83] {strides = array<i32>} : memref<128x128xf32, #tpu.memory_space<vmem>>, vector<16xf32>,
        tpu.vector_store %arg10[%swap3A_82, %swap3A_83], %mul3A_81 {strides = array<i32>} : memref<128x128xf32, #tpu.memory_space<vmem>>, vector<16xf32>,
        %get3A_85 = arith.index_cast %add3A_43 : i32 to index
        %get3A_86 = arith.constant 96 : index
        %get3A_87 = tpu.vector_load %arg10[%get3A_85, %get3A_86] {strides = array<i32>} : memref<128x128xf32, #tpu.memory_space<vmem>>, vector<16xf32>,
        %mul3A_88 = arith.mulf %get3A_87, %gather3A : vector<16xf32>
        %swap3A_89 = arith.index_cast %add3A_43 : i32 to index
        %swap3A_90 = arith.constant 96 : index
        %swap3A_91 = tpu.vector_load %arg10[%swap3A_89, %swap3A_90] {strides = array<i32>} : memref<128x128xf32, #tpu.memory_space<vmem>>, vector<16xf32>,
        tpu.vector_store %arg10[%swap3A_89, %swap3A_90], %mul3A_88 {strides = array<i32>} : memref<128x128xf32, #tpu.memory_space<vmem>>, vector<16xf32>,
        %get3A_92 = arith.index_cast %add3A_43 : i32 to index
        %get3A_93 = arith.constant 112 : index
        %get3A_94 = tpu.vector_load %arg10[%get3A_92, %get3A_93] {strides = array<i32>} : memref<128x128xf32, #tpu.memory_space<vmem>>, vector<16xf32>,
        %mul3A_95 = arith.mulf %get3A_94, %gather3A : vector<16xf32>
        %swap3A_96 = arith.index_cast %add3A_43 : i32 to index
        %swap3A_97 = arith.constant 112 : index
        %swap3A_98 = tpu.vector_load %arg10[%swap3A_96, %swap3A_97] {strides = array<i32>} : memref<128x128xf32, #tpu.memory_space<vmem>>, vector<16xf32>,
        tpu.vector_store %arg10[%swap3A_96, %swap3A_97], %mul3A_95 {strides = array<i32>} : memref<128x128xf32, #tpu.memory_space<vmem>>, vector<16xf32>,
      }
      %scan3A_38 = arith.constant 128 : i32
      "tpu.region"() ({
        %run_scoped3A = tpu.sem_alloc : memref<!tpu.dma_semaphore, #tpu.memory_space<semaphore_mem>>
        %dma_start3A = arith.constant 0 : i32
        %dma_start3A_39 = arith.constant 0 : i32
        %dma_start3A_40 = tpu.memref_slice %arg11[%dma_start3A, %dma_start3A_39] : memref<10112x128xf32, #tpu.memory_space<vmem_shared>> -> memref<10112x128xf32, #tpu.memory_space<vmem_shared>>
        tpu.enqueue_indirect_dma source(%arg10 : memref<128x128xf32, #tpu.memory_space<vmem>>) target(%dma_start3A_40 : memref<10112x128xf32, #tpu.memory_space<vmem_shared>>) offsets(%arg8 : memref<128xi32, #tpu.memory_space<vmem>>) semaphore(%run_scoped3A : memref<!tpu.dma_semaphore, #tpu.memory_space<semaphore_mem>>) {add = true}
        %dma_wait3A = arith.constant 0 : i32
        %dma_wait3A_41 = arith.constant 0 : i32
        %dma_wait3A_42 = tpu.memref_slice %arg11[%dma_wait3A, %dma_wait3A_41] : memref<10112x128xf32, #tpu.memory_space<vmem_shared>> -> memref<10112x128xf32, #tpu.memory_space<vmem_shared>>
        tpu.wait_indirect_dma semaphore(%run_scoped3A : memref<!tpu.dma_semaphore, #tpu.memory_space<semaphore_mem>>) src(%arg10 : memref<128x128xf32, #tpu.memory_space<vmem>>) dst(%dma_wait3A_42 : memref<10112x128xf32, #tpu.memory_space<vmem_shared>>)
        tpu.yield
      }) : () -> ()
    }
    %scan3A_22 = arith.constant 79 : i32
    %barrier3A_23 = arith.constant 0 : index
    tpu.barrier barrier_id(%barrier3A_23)
    "tpu.region"() ({
      %run_scoped3A = tpu.sem_alloc : memref<!tpu.dma_semaphore, #tpu.memory_space<semaphore_mem>>
      %dma_start3A = arith.constant 0 : i32
      %dma_start3A_24 = tpu.memref_slice %arg6[%arg0, %mul3A_2, %dma_start3A] : memref<2x10112x128xf32, #tpu.memory_space<hbm>> -> memref<1x632x128xf32, #tpu.memory_space<hbm>>
      %dma_start3A_25 = tpu.memref_squeeze %dma_start3A_24 : memref<1x632x128xf32, #tpu.memory_space<hbm>> -> memref<632x128xf32, #tpu.memory_space<hbm>>
      %dma_start3A_26 = arith.constant 0 : i32
      %dma_start3A_27 = tpu.memref_slice %arg11[%mul3A_2, %dma_start3A_26] : memref<10112x128xf32, #tpu.memory_space<vmem_shared>> -> memref<632x128xf32, #tpu.memory_space<vmem_shared>>
      tpu.enqueue_dma source(%dma_start3A_27 : memref<632x128xf32, #tpu.memory_space<vmem_shared>>) target(%dma_start3A_25 : memref<632x128xf32, #tpu.memory_space<hbm>>) target_semaphore(%run_scoped3A : memref<!tpu.dma_semaphore, #tpu.memory_space<semaphore_mem>>)
      %dma_wait3A = arith.constant 0 : i32
      %dma_wait3A_28 = tpu.memref_slice %arg6[%arg0, %mul3A_2, %dma_wait3A] : memref<2x10112x128xf32, #tpu.memory_space<hbm>> -> memref<1x632x128xf32, #tpu.memory_space<hbm>>
      %dma_wait3A_29 = tpu.memref_squeeze %dma_wait3A_28 : memref<1x632x128xf32, #tpu.memory_space<hbm>> -> memref<632x128xf32, #tpu.memory_space<hbm>>
      %dma_wait3A_30 = arith.constant 0 : i32
      %dma_wait3A_31 = tpu.memref_slice %arg11[%mul3A_2, %dma_wait3A_30] : memref<10112x128xf32, #tpu.memory_space<vmem_shared>> -> memref<632x128xf32, #tpu.memory_space<vmem_shared>>
      tpu.wait_dma2 semaphore(%run_scoped3A : memref<!tpu.dma_semaphore, #tpu.memory_space<semaphore_mem>>) src(%dma_wait3A_31 : memref<632x128xf32, #tpu.memory_space<vmem_shared>>) dst(%dma_wait3A_29 : memref<632x128xf32, #tpu.memory_space<hbm>>)
      tpu.yield
    }) : () -> ()
    return
  }
}

#map = affine_map<(d0, d1) -> (0, 0)>
#map1 = affine_map<(d0, d1) -> (0)>
#map2 = affine_map<(d0, d1) -> (0, 0, 0)>
module attributes {stable_mosaic.version = 14 : i64} {
  func.func @spmm_kernel(%arg0: i32, %arg1: i32, %arg2: memref<10112x128xf32, #tpu.memory_space<hbm>>, %arg3: memref<323584xi32, #tpu.memory_space<hbm>>, %arg4: memref<323584xi32, #tpu.memory_space<hbm>>, %arg5: memref<323584xf32, #tpu.memory_space<hbm>>, %arg6: memref<2x10112x128xf32, #tpu.memory_space<hbm>>, %arg7: memref<128xi32, #tpu.memory_space<vmem>>, %arg8: memref<128xi32, #tpu.memory_space<vmem>>, %arg9: memref<128xf32, #tpu.memory_space<vmem>>, %arg10: memref<128x128xf32, #tpu.memory_space<vmem>>, %arg11: memref<10112x128xf32, #tpu.memory_space<vmem_shared>>) attributes {dimension_semantics = [#tpu.dimension_semantics<core_parallel>, #tpu.dimension_semantics<subcore_parallel>], iteration_bounds = array<i64: 2, 16>, scalar_prefetch = 0 : i64, scratch_operands = 5 : i64, tpu.core_type = #tpu.core_type<sc_vector_subcore>, window_params = [{transform_indices = #map}, {transform_indices = #map1}, {transform_indices = #map1}, {transform_indices = #map1}, {transform_indices = #map2}]} {
    %mul3A = arith.constant 16 : i32
    %mul3A_0 = arith.muli %arg0, %mul3A : i32
    %add3A = arith.addi %mul3A_0, %arg1 : i32
    %mul3A_1 = arith.constant 632 : i32
    %mul3A_2 = arith.muli %arg1, %mul3A_1 : i32
    %broadcast_in_dim3A = arith.constant 0.000000e+00 : f32
    %broadcast_in_dim3A_3 = vector.broadcast %broadcast_in_dim3A : f32 to vector<16xf32>
    %scan3A = arith.constant 0 : i32
    %scan3A_4 = arith.constant 128 : i32
    %scan3A_5 = arith.addi %scan3A, %scan3A_4 : i32
    %scan3A_6 = arith.constant 1 : i32
    scf.for %scan3A_24 = %scan3A to %scan3A_5 step %scan3A_6  : i32 {
      %mul3A_25 = arith.constant 1 : i32
      %mul3A_26 = arith.muli %scan3A_24, %mul3A_25 : i32
      %add3A_27 = arith.constant 0 : i32
      %add3A_28 = arith.addi %add3A_27, %mul3A_26 : i32
      %swap3A = arith.index_cast %add3A_28 : i32 to index
      %swap3A_29 = arith.constant 0 : index
      %swap3A_30 = tpu.vector_load %arg10[%swap3A, %swap3A_29] {strides = array<i32>} : memref<128x128xf32, #tpu.memory_space<vmem>>, vector<16xf32>,
      tpu.vector_store %arg10[%swap3A, %swap3A_29], %broadcast_in_dim3A_3 {strides = array<i32>} : memref<128x128xf32, #tpu.memory_space<vmem>>, vector<16xf32>,
      %swap3A_31 = arith.index_cast %add3A_28 : i32 to index
      %swap3A_32 = arith.constant 16 : index
      %swap3A_33 = tpu.vector_load %arg10[%swap3A_31, %swap3A_32] {strides = array<i32>} : memref<128x128xf32, #tpu.memory_space<vmem>>, vector<16xf32>,
      tpu.vector_store %arg10[%swap3A_31, %swap3A_32], %broadcast_in_dim3A_3 {strides = array<i32>} : memref<128x128xf32, #tpu.memory_space<vmem>>, vector<16xf32>,
      %swap3A_34 = arith.index_cast %add3A_28 : i32 to index
      %swap3A_35 = arith.constant 32 : index
      %swap3A_36 = tpu.vector_load %arg10[%swap3A_34, %swap3A_35] {strides = array<i32>} : memref<128x128xf32, #tpu.memory_space<vmem>>, vector<16xf32>,
      tpu.vector_store %arg10[%swap3A_34, %swap3A_35], %broadcast_in_dim3A_3 {strides = array<i32>} : memref<128x128xf32, #tpu.memory_space<vmem>>, vector<16xf32>,
      %swap3A_37 = arith.index_cast %add3A_28 : i32 to index
      %swap3A_38 = arith.constant 48 : index
      %swap3A_39 = tpu.vector_load %arg10[%swap3A_37, %swap3A_38] {strides = array<i32>} : memref<128x128xf32, #tpu.memory_space<vmem>>, vector<16xf32>,
      tpu.vector_store %arg10[%swap3A_37, %swap3A_38], %broadcast_in_dim3A_3 {strides = array<i32>} : memref<128x128xf32, #tpu.memory_space<vmem>>, vector<16xf32>,
      %swap3A_40 = arith.index_cast %add3A_28 : i32 to index
      %swap3A_41 = arith.constant 64 : index
      %swap3A_42 = tpu.vector_load %arg10[%swap3A_40, %swap3A_41] {strides = array<i32>} : memref<128x128xf32, #tpu.memory_space<vmem>>, vector<16xf32>,
      tpu.vector_store %arg10[%swap3A_40, %swap3A_41], %broadcast_in_dim3A_3 {strides = array<i32>} : memref<128x128xf32, #tpu.memory_space<vmem>>, vector<16xf32>,
      %swap3A_43 = arith.index_cast %add3A_28 : i32 to index
      %swap3A_44 = arith.constant 80 : index
      %swap3A_45 = tpu.vector_load %arg10[%swap3A_43, %swap3A_44] {strides = array<i32>} : memref<128x128xf32, #tpu.memory_space<vmem>>, vector<16xf32>,
      tpu.vector_store %arg10[%swap3A_43, %swap3A_44], %broadcast_in_dim3A_3 {strides = array<i32>} : memref<128x128xf32, #tpu.memory_space<vmem>>, vector<16xf32>,
      %swap3A_46 = arith.index_cast %add3A_28 : i32 to index
      %swap3A_47 = arith.constant 96 : index
      %swap3A_48 = tpu.vector_load %arg10[%swap3A_46, %swap3A_47] {strides = array<i32>} : memref<128x128xf32, #tpu.memory_space<vmem>>, vector<16xf32>,
      tpu.vector_store %arg10[%swap3A_46, %swap3A_47], %broadcast_in_dim3A_3 {strides = array<i32>} : memref<128x128xf32, #tpu.memory_space<vmem>>, vector<16xf32>,
      %swap3A_49 = arith.index_cast %add3A_28 : i32 to index
      %swap3A_50 = arith.constant 112 : index
      %swap3A_51 = tpu.vector_load %arg10[%swap3A_49, %swap3A_50] {strides = array<i32>} : memref<128x128xf32, #tpu.memory_space<vmem>>, vector<16xf32>,
      tpu.vector_store %arg10[%swap3A_49, %swap3A_50], %broadcast_in_dim3A_3 {strides = array<i32>} : memref<128x128xf32, #tpu.memory_space<vmem>>, vector<16xf32>,
    }
    %scan3A_7 = arith.constant 128 : i32
    %add3A_8 = arith.constant 0 : i32
    %add3A_9 = arith.addi %mul3A_2, %add3A_8 : i32
    "tpu.region"() ({
      %run_scoped3A = tpu.sem_alloc : memref<!tpu.dma_semaphore, #tpu.memory_space<semaphore_mem>>
      %dma_start3A = arith.constant 0 : i32
      %dma_start3A_24 = tpu.memref_slice %arg11[%add3A_9, %dma_start3A] : memref<10112x128xf32, #tpu.memory_space<vmem_shared>> -> memref<128x128xf32, #tpu.memory_space<vmem_shared>>
      %dma_start3A_25 = arith.constant 0 : i32
      %dma_start3A_26 = tpu.memref_slice %arg11[%add3A_9, %dma_start3A_25] : memref<10112x128xf32, #tpu.memory_space<vmem_shared>> -> memref<128x128xf32, #tpu.memory_space<vmem_shared>>
      tpu.enqueue_dma source(%arg10 : memref<128x128xf32, #tpu.memory_space<vmem>>) target(%dma_start3A_26 : memref<128x128xf32, #tpu.memory_space<vmem_shared>>) target_semaphore(%run_scoped3A : memref<!tpu.dma_semaphore, #tpu.memory_space<semaphore_mem>>)
      %dma_wait3A = arith.constant 0 : i32
      %dma_wait3A_27 = tpu.memref_slice %arg11[%add3A_9, %dma_wait3A] : memref<10112x128xf32, #tpu.memory_space<vmem_shared>> -> memref<128x128xf32, #tpu.memory_space<vmem_shared>>
      %dma_wait3A_28 = arith.constant 0 : i32
      %dma_wait3A_29 = tpu.memref_slice %arg11[%add3A_9, %dma_wait3A_28] : memref<10112x128xf32, #tpu.memory_space<vmem_shared>> -> memref<128x128xf32, #tpu.memory_space<vmem_shared>>
      tpu.wait_dma2 semaphore(%run_scoped3A : memref<!tpu.dma_semaphore, #tpu.memory_space<semaphore_mem>>) src(%arg10 : memref<128x128xf32, #tpu.memory_space<vmem>>) dst(%dma_wait3A_29 : memref<128x128xf32, #tpu.memory_space<vmem_shared>>)
      tpu.yield
    }) : () -> ()
    %add3A_10 = arith.constant 128 : i32
    %add3A_11 = arith.addi %mul3A_2, %add3A_10 : i32
    "tpu.region"() ({
      %run_scoped3A = tpu.sem_alloc : memref<!tpu.dma_semaphore, #tpu.memory_space<semaphore_mem>>
      %dma_start3A = arith.constant 0 : i32
      %dma_start3A_24 = tpu.memref_slice %arg11[%add3A_11, %dma_start3A] : memref<10112x128xf32, #tpu.memory_space<vmem_shared>> -> memref<128x128xf32, #tpu.memory_space<vmem_shared>>
      %dma_start3A_25 = arith.constant 0 : i32
      %dma_start3A_26 = tpu.memref_slice %arg11[%add3A_11, %dma_start3A_25] : memref<10112x128xf32, #tpu.memory_space<vmem_shared>> -> memref<128x128xf32, #tpu.memory_space<vmem_shared>>
      tpu.enqueue_dma source(%arg10 : memref<128x128xf32, #tpu.memory_space<vmem>>) target(%dma_start3A_26 : memref<128x128xf32, #tpu.memory_space<vmem_shared>>) target_semaphore(%run_scoped3A : memref<!tpu.dma_semaphore, #tpu.memory_space<semaphore_mem>>)
      %dma_wait3A = arith.constant 0 : i32
      %dma_wait3A_27 = tpu.memref_slice %arg11[%add3A_11, %dma_wait3A] : memref<10112x128xf32, #tpu.memory_space<vmem_shared>> -> memref<128x128xf32, #tpu.memory_space<vmem_shared>>
      %dma_wait3A_28 = arith.constant 0 : i32
      %dma_wait3A_29 = tpu.memref_slice %arg11[%add3A_11, %dma_wait3A_28] : memref<10112x128xf32, #tpu.memory_space<vmem_shared>> -> memref<128x128xf32, #tpu.memory_space<vmem_shared>>
      tpu.wait_dma2 semaphore(%run_scoped3A : memref<!tpu.dma_semaphore, #tpu.memory_space<semaphore_mem>>) src(%arg10 : memref<128x128xf32, #tpu.memory_space<vmem>>) dst(%dma_wait3A_29 : memref<128x128xf32, #tpu.memory_space<vmem_shared>>)
      tpu.yield
    }) : () -> ()
    %add3A_12 = arith.constant 256 : i32
    %add3A_13 = arith.addi %mul3A_2, %add3A_12 : i32
    "tpu.region"() ({
      %run_scoped3A = tpu.sem_alloc : memref<!tpu.dma_semaphore, #tpu.memory_space<semaphore_mem>>
      %dma_start3A = arith.constant 0 : i32
      %dma_start3A_24 = tpu.memref_slice %arg11[%add3A_13, %dma_start3A] : memref<10112x128xf32, #tpu.memory_space<vmem_shared>> -> memref<128x128xf32, #tpu.memory_space<vmem_shared>>
      %dma_start3A_25 = arith.constant 0 : i32
      %dma_start3A_26 = tpu.memref_slice %arg11[%add3A_13, %dma_start3A_25] : memref<10112x128xf32, #tpu.memory_space<vmem_shared>> -> memref<128x128xf32, #tpu.memory_space<vmem_shared>>
      tpu.enqueue_dma source(%arg10 : memref<128x128xf32, #tpu.memory_space<vmem>>) target(%dma_start3A_26 : memref<128x128xf32, #tpu.memory_space<vmem_shared>>) target_semaphore(%run_scoped3A : memref<!tpu.dma_semaphore, #tpu.memory_space<semaphore_mem>>)
      %dma_wait3A = arith.constant 0 : i32
      %dma_wait3A_27 = tpu.memref_slice %arg11[%add3A_13, %dma_wait3A] : memref<10112x128xf32, #tpu.memory_space<vmem_shared>> -> memref<128x128xf32, #tpu.memory_space<vmem_shared>>
      %dma_wait3A_28 = arith.constant 0 : i32
      %dma_wait3A_29 = tpu.memref_slice %arg11[%add3A_13, %dma_wait3A_28] : memref<10112x128xf32, #tpu.memory_space<vmem_shared>> -> memref<128x128xf32, #tpu.memory_space<vmem_shared>>
      tpu.wait_dma2 semaphore(%run_scoped3A : memref<!tpu.dma_semaphore, #tpu.memory_space<semaphore_mem>>) src(%arg10 : memref<128x128xf32, #tpu.memory_space<vmem>>) dst(%dma_wait3A_29 : memref<128x128xf32, #tpu.memory_space<vmem_shared>>)
      tpu.yield
    }) : () -> ()
    %add3A_14 = arith.constant 384 : i32
    %add3A_15 = arith.addi %mul3A_2, %add3A_14 : i32
    "tpu.region"() ({
      %run_scoped3A = tpu.sem_alloc : memref<!tpu.dma_semaphore, #tpu.memory_space<semaphore_mem>>
      %dma_start3A = arith.constant 0 : i32
      %dma_start3A_24 = tpu.memref_slice %arg11[%add3A_15, %dma_start3A] : memref<10112x128xf32, #tpu.memory_space<vmem_shared>> -> memref<128x128xf32, #tpu.memory_space<vmem_shared>>
      %dma_start3A_25 = arith.constant 0 : i32
      %dma_start3A_26 = tpu.memref_slice %arg11[%add3A_15, %dma_start3A_25] : memref<10112x128xf32, #tpu.memory_space<vmem_shared>> -> memref<128x128xf32, #tpu.memory_space<vmem_shared>>
      tpu.enqueue_dma source(%arg10 : memref<128x128xf32, #tpu.memory_space<vmem>>) target(%dma_start3A_26 : memref<128x128xf32, #tpu.memory_space<vmem_shared>>) target_semaphore(%run_scoped3A : memref<!tpu.dma_semaphore, #tpu.memory_space<semaphore_mem>>)
      %dma_wait3A = arith.constant 0 : i32
      %dma_wait3A_27 = tpu.memref_slice %arg11[%add3A_15, %dma_wait3A] : memref<10112x128xf32, #tpu.memory_space<vmem_shared>> -> memref<128x128xf32, #tpu.memory_space<vmem_shared>>
      %dma_wait3A_28 = arith.constant 0 : i32
      %dma_wait3A_29 = tpu.memref_slice %arg11[%add3A_15, %dma_wait3A_28] : memref<10112x128xf32, #tpu.memory_space<vmem_shared>> -> memref<128x128xf32, #tpu.memory_space<vmem_shared>>
      tpu.wait_dma2 semaphore(%run_scoped3A : memref<!tpu.dma_semaphore, #tpu.memory_space<semaphore_mem>>) src(%arg10 : memref<128x128xf32, #tpu.memory_space<vmem>>) dst(%dma_wait3A_29 : memref<128x128xf32, #tpu.memory_space<vmem_shared>>)
      tpu.yield
    }) : () -> ()
    %add3A_16 = arith.constant 512 : i32
    %add3A_17 = arith.addi %mul3A_2, %add3A_16 : i32
    "tpu.region"() ({
      %run_scoped3A = tpu.sem_alloc : memref<!tpu.dma_semaphore, #tpu.memory_space<semaphore_mem>>
      %dma_start3A = arith.constant 0 : i32
      %dma_start3A_24 = arith.constant 0 : i32
      %dma_start3A_25 = tpu.memref_slice %arg10[%dma_start3A, %dma_start3A_24] : memref<128x128xf32, #tpu.memory_space<vmem>> -> memref<120x128xf32, #tpu.memory_space<vmem>>
      %dma_start3A_26 = arith.constant 0 : i32
      %dma_start3A_27 = tpu.memref_slice %arg11[%add3A_17, %dma_start3A_26] : memref<10112x128xf32, #tpu.memory_space<vmem_shared>> -> memref<120x128xf32, #tpu.memory_space<vmem_shared>>
      %dma_start3A_28 = arith.constant 0 : i32
      %dma_start3A_29 = tpu.memref_slice %arg11[%add3A_17, %dma_start3A_28] : memref<10112x128xf32, #tpu.memory_space<vmem_shared>> -> memref<120x128xf32, #tpu.memory_space<vmem_shared>>
      %dma_start3A_30 = arith.constant 0 : i32
      %dma_start3A_31 = arith.constant 0 : i32
      %dma_start3A_32 = tpu.memref_slice %arg10[%dma_start3A_30, %dma_start3A_31] : memref<128x128xf32, #tpu.memory_space<vmem>> -> memref<120x128xf32, #tpu.memory_space<vmem>>
      tpu.enqueue_dma source(%dma_start3A_32 : memref<120x128xf32, #tpu.memory_space<vmem>>) target(%dma_start3A_29 : memref<120x128xf32, #tpu.memory_space<vmem_shared>>) target_semaphore(%run_scoped3A : memref<!tpu.dma_semaphore, #tpu.memory_space<semaphore_mem>>)
      %dma_wait3A = arith.constant 0 : i32
      %dma_wait3A_33 = arith.constant 0 : i32
      %dma_wait3A_34 = tpu.memref_slice %arg10[%dma_wait3A, %dma_wait3A_33] : memref<128x128xf32, #tpu.memory_space<vmem>> -> memref<120x128xf32, #tpu.memory_space<vmem>>
      %dma_wait3A_35 = arith.constant 0 : i32
      %dma_wait3A_36 = tpu.memref_slice %arg11[%add3A_17, %dma_wait3A_35] : memref<10112x128xf32, #tpu.memory_space<vmem_shared>> -> memref<120x128xf32, #tpu.memory_space<vmem_shared>>
      %dma_wait3A_37 = arith.constant 0 : i32
      %dma_wait3A_38 = tpu.memref_slice %arg11[%add3A_17, %dma_wait3A_37] : memref<10112x128xf32, #tpu.memory_space<vmem_shared>> -> memref<120x128xf32, #tpu.memory_space<vmem_shared>>
      %dma_wait3A_39 = arith.constant 0 : i32
      %dma_wait3A_40 = arith.constant 0 : i32
      %dma_wait3A_41 = tpu.memref_slice %arg10[%dma_wait3A_39, %dma_wait3A_40] : memref<128x128xf32, #tpu.memory_space<vmem>> -> memref<120x128xf32, #tpu.memory_space<vmem>>
      tpu.wait_dma2 semaphore(%run_scoped3A : memref<!tpu.dma_semaphore, #tpu.memory_space<semaphore_mem>>) src(%dma_wait3A_41 : memref<120x128xf32, #tpu.memory_space<vmem>>) dst(%dma_wait3A_38 : memref<120x128xf32, #tpu.memory_space<vmem_shared>>)
      tpu.yield
    }) : () -> ()
    %barrier3A = arith.constant 0 : index
    tpu.barrier barrier_id(%barrier3A)
    %scan3A_18 = arith.constant 0 : i32
    %scan3A_19 = arith.constant 79 : i32
    %scan3A_20 = arith.addi %scan3A_18, %scan3A_19 : i32
    %scan3A_21 = arith.constant 1 : i32
    scf.for %scan3A_24 = %scan3A_18 to %scan3A_20 step %scan3A_21  : i32 {
      %mul3A_25 = arith.constant 1 : i32
      %mul3A_26 = arith.muli %scan3A_24, %mul3A_25 : i32
      %add3A_27 = arith.constant 0 : i32
      %add3A_28 = arith.addi %add3A_27, %mul3A_26 : i32
      %mul3A_29 = arith.constant 10112 : i32
      %mul3A_30 = arith.muli %add3A, %mul3A_29 : i32
      %mul3A_31 = arith.constant 128 : i32
      %mul3A_32 = arith.muli %add3A_28, %mul3A_31 : i32
      %add3A_33 = arith.addi %mul3A_30, %mul3A_32 : i32
      "tpu.region"() ({
        %run_scoped3A = tpu.sem_alloc : memref<!tpu.dma_semaphore, #tpu.memory_space<semaphore_mem>>
        %dma_start3A = tpu.memref_slice %arg3[%add3A_33] : memref<323584xi32, #tpu.memory_space<hbm>> -> memref<128xi32, #tpu.memory_space<hbm>>
        %dma_start3A_39 = tpu.memref_slice %arg3[%add3A_33] : memref<323584xi32, #tpu.memory_space<hbm>> -> memref<128xi32, #tpu.memory_space<hbm>>
        tpu.enqueue_dma source(%dma_start3A_39 : memref<128xi32, #tpu.memory_space<hbm>>) target(%arg7 : memref<128xi32, #tpu.memory_space<vmem>>) target_semaphore(%run_scoped3A : memref<!tpu.dma_semaphore, #tpu.memory_space<semaphore_mem>>)
        %dma_wait3A = tpu.memref_slice %arg3[%add3A_33] : memref<323584xi32, #tpu.memory_space<hbm>> -> memref<128xi32, #tpu.memory_space<hbm>>
        %dma_wait3A_40 = tpu.memref_slice %arg3[%add3A_33] : memref<323584xi32, #tpu.memory_space<hbm>> -> memref<128xi32, #tpu.memory_space<hbm>>
        tpu.wait_dma2 semaphore(%run_scoped3A : memref<!tpu.dma_semaphore, #tpu.memory_space<semaphore_mem>>) src(%dma_wait3A_40 : memref<128xi32, #tpu.memory_space<hbm>>) dst(%arg7 : memref<128xi32, #tpu.memory_space<vmem>>)
        tpu.yield
      }) : () -> ()
      "tpu.region"() ({
        %run_scoped3A = tpu.sem_alloc : memref<!tpu.dma_semaphore, #tpu.memory_space<semaphore_mem>>
        %dma_start3A = tpu.memref_slice %arg4[%add3A_33] : memref<323584xi32, #tpu.memory_space<hbm>> -> memref<128xi32, #tpu.memory_space<hbm>>
        %dma_start3A_39 = tpu.memref_slice %arg4[%add3A_33] : memref<323584xi32, #tpu.memory_space<hbm>> -> memref<128xi32, #tpu.memory_space<hbm>>
        tpu.enqueue_dma source(%dma_start3A_39 : memref<128xi32, #tpu.memory_space<hbm>>) target(%arg8 : memref<128xi32, #tpu.memory_space<vmem>>) target_semaphore(%run_scoped3A : memref<!tpu.dma_semaphore, #tpu.memory_space<semaphore_mem>>)
        %dma_wait3A = tpu.memref_slice %arg4[%add3A_33] : memref<323584xi32, #tpu.memory_space<hbm>> -> memref<128xi32, #tpu.memory_space<hbm>>
        %dma_wait3A_40 = tpu.memref_slice %arg4[%add3A_33] : memref<323584xi32, #tpu.memory_space<hbm>> -> memref<128xi32, #tpu.memory_space<hbm>>
        tpu.wait_dma2 semaphore(%run_scoped3A : memref<!tpu.dma_semaphore, #tpu.memory_space<semaphore_mem>>) src(%dma_wait3A_40 : memref<128xi32, #tpu.memory_space<hbm>>) dst(%arg8 : memref<128xi32, #tpu.memory_space<vmem>>)
        tpu.yield
      }) : () -> ()
      "tpu.region"() ({
        %run_scoped3A = tpu.sem_alloc : memref<!tpu.dma_semaphore, #tpu.memory_space<semaphore_mem>>
        %dma_start3A = tpu.memref_slice %arg5[%add3A_33] : memref<323584xf32, #tpu.memory_space<hbm>> -> memref<128xf32, #tpu.memory_space<hbm>>
        %dma_start3A_39 = tpu.memref_slice %arg5[%add3A_33] : memref<323584xf32, #tpu.memory_space<hbm>> -> memref<128xf32, #tpu.memory_space<hbm>>
        tpu.enqueue_dma source(%dma_start3A_39 : memref<128xf32, #tpu.memory_space<hbm>>) target(%arg9 : memref<128xf32, #tpu.memory_space<vmem>>) target_semaphore(%run_scoped3A : memref<!tpu.dma_semaphore, #tpu.memory_space<semaphore_mem>>)
        %dma_wait3A = tpu.memref_slice %arg5[%add3A_33] : memref<323584xf32, #tpu.memory_space<hbm>> -> memref<128xf32, #tpu.memory_space<hbm>>
        %dma_wait3A_40 = tpu.memref_slice %arg5[%add3A_33] : memref<323584xf32, #tpu.memory_space<hbm>> -> memref<128xf32, #tpu.memory_space<hbm>>
        tpu.wait_dma2 semaphore(%run_scoped3A : memref<!tpu.dma_semaphore, #tpu.memory_space<semaphore_mem>>) src(%dma_wait3A_40 : memref<128xf32, #tpu.memory_space<hbm>>) dst(%arg9 : memref<128xf32, #tpu.memory_space<vmem>>)
        tpu.yield
      }) : () -> ()
      "tpu.region"() ({
        %run_scoped3A = tpu.sem_alloc : memref<!tpu.dma_semaphore, #tpu.memory_space<semaphore_mem>>
        %dma_start3A = arith.constant 0 : i32
        %dma_start3A_39 = arith.constant 0 : i32
        %dma_start3A_40 = tpu.memref_slice %arg2[%dma_start3A, %dma_start3A_39] : memref<10112x128xf32, #tpu.memory_space<hbm>> -> memref<10112x128xf32, #tpu.memory_space<hbm>>
        tpu.enqueue_indirect_dma source(%dma_start3A_40 : memref<10112x128xf32, #tpu.memory_space<hbm>>) target(%arg10 : memref<128x128xf32, #tpu.memory_space<vmem>>) offsets(%arg7 : memref<128xi32, #tpu.memory_space<vmem>>) semaphore(%run_scoped3A : memref<!tpu.dma_semaphore, #tpu.memory_space<semaphore_mem>>)
        %dma_wait3A = arith.constant 0 : i32
        %dma_wait3A_41 = arith.constant 0 : i32
        %dma_wait3A_42 = tpu.memref_slice %arg2[%dma_wait3A, %dma_wait3A_41] : memref<10112x128xf32, #tpu.memory_space<hbm>> -> memref<10112x128xf32, #tpu.memory_space<hbm>>
        tpu.wait_indirect_dma semaphore(%run_scoped3A : memref<!tpu.dma_semaphore, #tpu.memory_space<semaphore_mem>>) src(%dma_wait3A_42 : memref<10112x128xf32, #tpu.memory_space<hbm>>) dst(%arg10 : memref<128x128xf32, #tpu.memory_space<vmem>>)
        tpu.yield
      }) : () -> ()
      %scan3A_34 = arith.constant 0 : i32
      %scan3A_35 = arith.constant 128 : i32
      %scan3A_36 = arith.addi %scan3A_34, %scan3A_35 : i32
      %scan3A_37 = arith.constant 1 : i32
      scf.for %scan3A_39 = %scan3A_34 to %scan3A_36 step %scan3A_37  : i32 {
        %mul3A_40 = arith.constant 1 : i32
        %mul3A_41 = arith.muli %scan3A_39, %mul3A_40 : i32
        %add3A_42 = arith.constant 0 : i32
        %add3A_43 = arith.addi %add3A_42, %mul3A_41 : i32
        %broadcast_in_dim3A_44 = vector.broadcast %add3A_43 : i32 to vector<16xi32>
        %gather3A = tpu.vector_load_idx %arg9[%broadcast_in_dim3A_44] : memref<128xf32, #tpu.memory_space<vmem>>[vector<16xi32>], vector<16xf32>,
        %get3A = arith.index_cast %add3A_43 : i32 to index
        %get3A_45 = arith.constant 0 : index
        %get3A_46 = tpu.vector_load %arg10[%get3A, %get3A_45] {strides = array<i32>} : memref<128x128xf32, #tpu.memory_space<vmem>>, vector<16xf32>,
        %mul3A_47 = arith.mulf %get3A_46, %gather3A : vector<16xf32>
        %swap3A = arith.index_cast %add3A_43 : i32 to index
        %swap3A_48 = arith.constant 0 : index
        %swap3A_49 = tpu.vector_load %arg10[%swap3A, %swap3A_48] {strides = array<i32>} : memref<128x128xf32, #tpu.memory_space<vmem>>, vector<16xf32>,
        tpu.vector_store %arg10[%swap3A, %swap3A_48], %mul3A_47 {strides = array<i32>} : memref<128x128xf32, #tpu.memory_space<vmem>>, vector<16xf32>,
        %get3A_50 = arith.index_cast %add3A_43 : i32 to index
        %get3A_51 = arith.constant 16 : index
        %get3A_52 = tpu.vector_load %arg10[%get3A_50, %get3A_51] {strides = array<i32>} : memref<128x128xf32, #tpu.memory_space<vmem>>, vector<16xf32>,
        %mul3A_53 = arith.mulf %get3A_52, %gather3A : vector<16xf32>
        %swap3A_54 = arith.index_cast %add3A_43 : i32 to index
        %swap3A_55 = arith.constant 16 : index
        %swap3A_56 = tpu.vector_load %arg10[%swap3A_54, %swap3A_55] {strides = array<i32>} : memref<128x128xf32, #tpu.memory_space<vmem>>, vector<16xf32>,
        tpu.vector_store %arg10[%swap3A_54, %swap3A_55], %mul3A_53 {strides = array<i32>} : memref<128x128xf32, #tpu.memory_space<vmem>>, vector<16xf32>,
        %get3A_57 = arith.index_cast %add3A_43 : i32 to index
        %get3A_58 = arith.constant 32 : index
        %get3A_59 = tpu.vector_load %arg10[%get3A_57, %get3A_58] {strides = array<i32>} : memref<128x128xf32, #tpu.memory_space<vmem>>, vector<16xf32>,
        %mul3A_60 = arith.mulf %get3A_59, %gather3A : vector<16xf32>
        %swap3A_61 = arith.index_cast %add3A_43 : i32 to index
        %swap3A_62 = arith.constant 32 : index
        %swap3A_63 = tpu.vector_load %arg10[%swap3A_61, %swap3A_62] {strides = array<i32>} : memref<128x128xf32, #tpu.memory_space<vmem>>, vector<16xf32>,
        tpu.vector_store %arg10[%swap3A_61, %swap3A_62], %mul3A_60 {strides = array<i32>} : memref<128x128xf32, #tpu.memory_space<vmem>>, vector<16xf32>,
        %get3A_64 = arith.index_cast %add3A_43 : i32 to index
        %get3A_65 = arith.constant 48 : index
        %get3A_66 = tpu.vector_load %arg10[%get3A_64, %get3A_65] {strides = array<i32>} : memref<128x128xf32, #tpu.memory_space<vmem>>, vector<16xf32>,
        %mul3A_67 = arith.mulf %get3A_66, %gather3A : vector<16xf32>
        %swap3A_68 = arith.index_cast %add3A_43 : i32 to index
        %swap3A_69 = arith.constant 48 : index
        %swap3A_70 = tpu.vector_load %arg10[%swap3A_68, %swap3A_69] {strides = array<i32>} : memref<128x128xf32, #tpu.memory_space<vmem>>, vector<16xf32>,
        tpu.vector_store %arg10[%swap3A_68, %swap3A_69], %mul3A_67 {strides = array<i32>} : memref<128x128xf32, #tpu.memory_space<vmem>>, vector<16xf32>,
        %get3A_71 = arith.index_cast %add3A_43 : i32 to index
        %get3A_72 = arith.constant 64 : index
        %get3A_73 = tpu.vector_load %arg10[%get3A_71, %get3A_72] {strides = array<i32>} : memref<128x128xf32, #tpu.memory_space<vmem>>, vector<16xf32>,
        %mul3A_74 = arith.mulf %get3A_73, %gather3A : vector<16xf32>
        %swap3A_75 = arith.index_cast %add3A_43 : i32 to index
        %swap3A_76 = arith.constant 64 : index
        %swap3A_77 = tpu.vector_load %arg10[%swap3A_75, %swap3A_76] {strides = array<i32>} : memref<128x128xf32, #tpu.memory_space<vmem>>, vector<16xf32>,
        tpu.vector_store %arg10[%swap3A_75, %swap3A_76], %mul3A_74 {strides = array<i32>} : memref<128x128xf32, #tpu.memory_space<vmem>>, vector<16xf32>,
        %get3A_78 = arith.index_cast %add3A_43 : i32 to index
        %get3A_79 = arith.constant 80 : index
        %get3A_80 = tpu.vector_load %arg10[%get3A_78, %get3A_79] {strides = array<i32>} : memref<128x128xf32, #tpu.memory_space<vmem>>, vector<16xf32>,
        %mul3A_81 = arith.mulf %get3A_80, %gather3A : vector<16xf32>
        %swap3A_82 = arith.index_cast %add3A_43 : i32 to index
        %swap3A_83 = arith.constant 80 : index
        %swap3A_84 = tpu.vector_load %arg10[%swap3A_82, %swap3A_83] {strides = array<i32>} : memref<128x128xf32, #tpu.memory_space<vmem>>, vector<16xf32>,
        tpu.vector_store %arg10[%swap3A_82, %swap3A_83], %mul3A_81 {strides = array<i32>} : memref<128x128xf32, #tpu.memory_space<vmem>>, vector<16xf32>,
        %get3A_85 = arith.index_cast %add3A_43 : i32 to index
        %get3A_86 = arith.constant 96 : index
        %get3A_87 = tpu.vector_load %arg10[%get3A_85, %get3A_86] {strides = array<i32>} : memref<128x128xf32, #tpu.memory_space<vmem>>, vector<16xf32>,
        %mul3A_88 = arith.mulf %get3A_87, %gather3A : vector<16xf32>
        %swap3A_89 = arith.index_cast %add3A_43 : i32 to index
        %swap3A_90 = arith.constant 96 : index
        %swap3A_91 = tpu.vector_load %arg10[%swap3A_89, %swap3A_90] {strides = array<i32>} : memref<128x128xf32, #tpu.memory_space<vmem>>, vector<16xf32>,
        tpu.vector_store %arg10[%swap3A_89, %swap3A_90], %mul3A_88 {strides = array<i32>} : memref<128x128xf32, #tpu.memory_space<vmem>>, vector<16xf32>,
        %get3A_92 = arith.index_cast %add3A_43 : i32 to index
        %get3A_93 = arith.constant 112 : index
        %get3A_94 = tpu.vector_load %arg10[%get3A_92, %get3A_93] {strides = array<i32>} : memref<128x128xf32, #tpu.memory_space<vmem>>, vector<16xf32>,
        %mul3A_95 = arith.mulf %get3A_94, %gather3A : vector<16xf32>
        %swap3A_96 = arith.index_cast %add3A_43 : i32 to index
        %swap3A_97 = arith.constant 112 : index
        %swap3A_98 = tpu.vector_load %arg10[%swap3A_96, %swap3A_97] {strides = array<i32>} : memref<128x128xf32, #tpu.memory_space<vmem>>, vector<16xf32>,
        tpu.vector_store %arg10[%swap3A_96, %swap3A_97], %mul3A_95 {strides = array<i32>} : memref<128x128xf32, #tpu.memory_space<vmem>>, vector<16xf32>,
      }
      %scan3A_38 = arith.constant 128 : i32
      "tpu.region"() ({
        %run_scoped3A = tpu.sem_alloc : memref<!tpu.dma_semaphore, #tpu.memory_space<semaphore_mem>>
        %dma_start3A = arith.constant 0 : i32
        %dma_start3A_39 = arith.constant 0 : i32
        %dma_start3A_40 = tpu.memref_slice %arg11[%dma_start3A, %dma_start3A_39] : memref<10112x128xf32, #tpu.memory_space<vmem_shared>> -> memref<10112x128xf32, #tpu.memory_space<vmem_shared>>
        tpu.enqueue_indirect_dma source(%arg10 : memref<128x128xf32, #tpu.memory_space<vmem>>) target(%dma_start3A_40 : memref<10112x128xf32, #tpu.memory_space<vmem_shared>>) offsets(%arg8 : memref<128xi32, #tpu.memory_space<vmem>>) semaphore(%run_scoped3A : memref<!tpu.dma_semaphore, #tpu.memory_space<semaphore_mem>>) {add = true}
        %dma_wait3A = arith.constant 0 : i32
        %dma_wait3A_41 = arith.constant 0 : i32
        %dma_wait3A_42 = tpu.memref_slice %arg11[%dma_wait3A, %dma_wait3A_41] : memref<10112x128xf32, #tpu.memory_space<vmem_shared>> -> memref<10112x128xf32, #tpu.memory_space<vmem_shared>>
        tpu.wait_indirect_dma semaphore(%run_scoped3A : memref<!tpu.dma_semaphore, #tpu.memory_space<semaphore_mem>>) src(%arg10 : memref<128x128xf32, #tpu.memory_space<vmem>>) dst(%dma_wait3A_42 : memref<10112x128xf32, #tpu.memory_space<vmem_shared>>)
        tpu.yield
      }) : () -> ()
    }
    %scan3A_22 = arith.constant 79 : i32
    %barrier3A_23 = arith.constant 0 : index
    tpu.barrier barrier_id(%barrier3A_23)
    "tpu.region"() ({
      %run_scoped3A = tpu.sem_alloc : memref<!tpu.dma_semaphore, #tpu.memory_space<semaphore_mem>>
      %dma_start3A = arith.constant 0 : i32
      %dma_start3A_24 = tpu.memref_slice %arg6[%arg0, %mul3A_2, %dma_start3A] : memref<2x10112x128xf32, #tpu.memory_space<hbm>> -> memref<1x632x128xf32, #tpu.memory_space<hbm>>
      %dma_start3A_25 = tpu.memref_squeeze %dma_start3A_24 : memref<1x632x128xf32, #tpu.memory_space<hbm>> -> memref<632x128xf32, #tpu.memory_space<hbm>>
      %dma_start3A_26 = arith.constant 0 : i32
      %dma_start3A_27 = tpu.memref_slice %arg11[%mul3A_2, %dma_start3A_26] : memref<10112x128xf32, #tpu.memory_space<vmem_shared>> -> memref<632x128xf32, #tpu.memory_space<vmem_shared>>
      tpu.enqueue_dma source(%dma_start3A_27 : memref<632x128xf32, #tpu.memory_space<vmem_shared>>) target(%dma_start3A_25 : memref<632x128xf32, #tpu.memory_space<hbm>>) target_semaphore(%run_scoped3A : memref<!tpu.dma_semaphore, #tpu.memory_space<semaphore_mem>>)
      %dma_wait3A = arith.constant 0 : i32
      %dma_wait3A_28 = tpu.memref_slice %arg6[%arg0, %mul3A_2, %dma_wait3A] : memref<2x10112x128xf32, #tpu.memory_space<hbm>> -> memref<1x632x128xf32, #tpu.memory_space<hbm>>
      %dma_wait3A_29 = tpu.memref_squeeze %dma_wait3A_28 : memref<1x632x128xf32, #tpu.memory_space<hbm>> -> memref<632x128xf32, #tpu.memory_space<hbm>>
      %dma_wait3A_30 = arith.constant 0 : i32
      %dma_wait3A_31 = tpu.memref_slice %arg11[%mul3A_2, %dma_wait3A_30] : memref<10112x128xf32, #tpu.memory_space<vmem_shared>> -> memref<632x128xf32, #tpu.memory_space<vmem_shared>>
      tpu.wait_dma2 semaphore(%run_scoped3A : memref<!tpu.dma_semaphore, #tpu.memory_space<semaphore_mem>>) src(%dma_wait3A_31 : memref<632x128xf32, #tpu.memory_space<vmem_shared>>) dst(%dma_wait3A_29 : memref<632x128xf32, #tpu.memory_space<hbm>>)
      tpu.yield
    }) : () -> ()
    return
  }
}

module attributes {stable_mosaic.version = 14 : i64} {
  func.func @body(%arg0: memref<2x10112x16xf32, #tpu.memory_space<vmem>>, %arg1: memref<10112x128xf32, #tpu.memory_space<vmem>>, %arg2: memref<10112x128xf32, #tpu.memory_space<vmem>>, %arg3: memref<10112x1xf32, #tpu.memory_space<vmem>>) attributes {dimension_semantics = [], scalar_prefetch = 0 : i64, scratch_operands = 0 : i64, tpu.core_type = #tpu.core_type<tc>} {
    %get3A = arith.constant 0 : index
    %get3A_0 = arith.constant 0 : index
    %get3A_1 = arith.constant 0 : index
    %get3A_2 = vector.load %arg0[%get3A, %get3A_0, %get3A_1] : memref<2x10112x16xf32, #tpu.memory_space<vmem>>, vector<1x10112x1xf32>
    %get3A_3 = vector.shape_cast %get3A_2 : vector<1x10112x1xf32> to vector<10112x1xf32>
    %get3A_4 = arith.constant 1 : index
    %get3A_5 = arith.constant 0 : index
    %get3A_6 = arith.constant 0 : index
    %get3A_7 = vector.load %arg0[%get3A_4, %get3A_5, %get3A_6] : memref<2x10112x16xf32, #tpu.memory_space<vmem>>, vector<1x10112x1xf32>
    %get3A_8 = vector.shape_cast %get3A_7 : vector<1x10112x1xf32> to vector<10112x1xf32>
    %add3A = arith.addf %get3A_3, %get3A_8 : vector<10112x1xf32>
    %gt3A = arith.constant 0.000000e+00 : f32
    %gt3A_9 = vector.broadcast %gt3A : f32 to vector<10112x1xf32>
    %gt3A_10 = arith.cmpf ogt, %add3A, %gt3A_9 : vector<10112x1xf32>
    %max3A = arith.constant 9.99999996E-13 : f32
    %max3A_11 = vector.broadcast %max3A : f32 to vector<10112x1xf32>
    %max3A_12 = arith.maximumf %add3A, %max3A_11 : vector<10112x1xf32>
    %rsqrt3A = math.rsqrt %max3A_12 : vector<10112x1xf32>
    %jit3A = arith.constant 0.000000e+00 : f32
    %broadcast_in_dim3A = vector.broadcast %jit3A : f32 to vector<10112x1xf32>
    %select_n3A = arith.select %gt3A_10, %rsqrt3A, %broadcast_in_dim3A : vector<10112x1xi1>, vector<10112x1xf32>
    %swap3A = arith.constant 0 : index
    %swap3A_13 = arith.constant 0 : index
    %swap3A_14 = vector.load %arg3[%swap3A, %swap3A_13] : memref<10112x1xf32, #tpu.memory_space<vmem>>, vector<10112x1xf32>
    tpu.vector_store %arg3[%swap3A, %swap3A_13], %select_n3A {strides = array<i32>} : memref<10112x1xf32, #tpu.memory_space<vmem>>, vector<10112x1xf32>,
    %get3A_15 = arith.constant 0 : index
    %get3A_16 = arith.constant 0 : index
    %get3A_17 = vector.load %arg1[%get3A_15, %get3A_16] : memref<10112x128xf32, #tpu.memory_space<vmem>>, vector<10112x128xf32>
    %mul3A = vector.broadcast %select_n3A : vector<10112x1xf32> to vector<10112x128xf32>
    %mul3A_18 = arith.mulf %get3A_17, %mul3A : vector<10112x128xf32>
    %swap3A_19 = arith.constant 0 : index
    %swap3A_20 = arith.constant 0 : index
    %swap3A_21 = vector.load %arg2[%swap3A_19, %swap3A_20] : memref<10112x128xf32, #tpu.memory_space<vmem>>, vector<10112x128xf32>
    tpu.vector_store %arg2[%swap3A_19, %swap3A_20], %mul3A_18 {strides = array<i32>} : memref<10112x128xf32, #tpu.memory_space<vmem>>, vector<10112x128xf32>,
    return
  }
}

module attributes {stable_mosaic.version = 14 : i64} {
  func.func @body(%arg0: memref<2x10112x128xf32, #tpu.memory_space<vmem>>, %arg1: memref<10112x1xf32, #tpu.memory_space<vmem>>, %arg2: memref<128x256xf32, #tpu.memory_space<vmem>>, %arg3: memref<1x256xf32, #tpu.memory_space<vmem>>, %arg4: memref<1x256xf32, #tpu.memory_space<vmem>>, %arg5: memref<1x256xf32, #tpu.memory_space<vmem>>, %arg6: memref<1x1xf32, #tpu.memory_space<vmem>>, %arg7: memref<256x64xf32, #tpu.memory_space<vmem>>, %arg8: memref<128x64xf32, #tpu.memory_space<vmem>>, %arg9: memref<10112x128xf32, #tpu.memory_space<vmem>>) attributes {dimension_semantics = [], scalar_prefetch = 0 : i64, scratch_operands = 0 : i64, tpu.core_type = #tpu.core_type<tc>} {
    %get3A = arith.constant 0 : index
    %get3A_0 = arith.constant 0 : index
    %get3A_1 = vector.load %arg1[%get3A, %get3A_0] : memref<10112x1xf32, #tpu.memory_space<vmem>>, vector<10112x1xf32>
    %get3A_2 = arith.constant 0 : index
    %get3A_3 = arith.constant 0 : index
    %get3A_4 = arith.constant 0 : index
    %get3A_5 = vector.load %arg0[%get3A_2, %get3A_3, %get3A_4] : memref<2x10112x128xf32, #tpu.memory_space<vmem>>, vector<1x10112x128xf32>
    %get3A_6 = vector.shape_cast %get3A_5 : vector<1x10112x128xf32> to vector<10112x128xf32>
    %get3A_7 = arith.constant 1 : index
    %get3A_8 = arith.constant 0 : index
    %get3A_9 = arith.constant 0 : index
    %get3A_10 = vector.load %arg0[%get3A_7, %get3A_8, %get3A_9] : memref<2x10112x128xf32, #tpu.memory_space<vmem>>, vector<1x10112x128xf32>
    %get3A_11 = vector.shape_cast %get3A_10 : vector<1x10112x128xf32> to vector<10112x128xf32>
    %add3A = arith.addf %get3A_6, %get3A_11 : vector<10112x128xf32>
    %mul3A = vector.broadcast %get3A_1 : vector<10112x1xf32> to vector<10112x128xf32>
    %mul3A_12 = arith.mulf %add3A, %mul3A : vector<10112x128xf32>
    %get3A_13 = arith.constant 0 : index
    %get3A_14 = arith.constant 0 : index
    %get3A_15 = vector.load %arg2[%get3A_13, %get3A_14] : memref<128x256xf32, #tpu.memory_space<vmem>>, vector<128x256xf32>
    %dot_general3A = arith.constant dense<0.000000e+00> : vector<10112x256xf32>
    %dot_general3A_16 = tpu.matmul %mul3A_12, %get3A_15, %dot_general3A {dimension_numbers = #tpu.dot_dimension_numbers<[1], [0], [0], [1], [0, 0, 1, 1], [], []>, transpose_lhs_hint = false} : vector<10112x128xf32>, vector<128x256xf32>, vector<10112x256xf32> -> vector<10112x256xf32>
    %get3A_17 = arith.constant 0 : index
    %get3A_18 = arith.constant 0 : index
    %get3A_19 = vector.load %arg4[%get3A_17, %get3A_18] : memref<1x256xf32, #tpu.memory_space<vmem>>, vector<1x256xf32>
    %mul3A_20 = arith.constant 0.999994993 : f32
    %mul3A_21 = vector.broadcast %mul3A_20 : f32 to vector<1x256xf32>
    %mul3A_22 = arith.mulf %get3A_19, %mul3A_21 : vector<1x256xf32>
    %get3A_23 = arith.constant 0 : index
    %get3A_24 = arith.constant 0 : index
    %get3A_25 = vector.load %arg3[%get3A_23, %get3A_24] : memref<1x256xf32, #tpu.memory_space<vmem>>, vector<1x256xf32>
    %add3A_26 = vector.broadcast %get3A_25 : vector<1x256xf32> to vector<10112x256xf32>
    %add3A_27 = arith.addf %dot_general3A_16, %add3A_26 : vector<10112x256xf32>
    %mul3A_28 = vector.broadcast %mul3A_22 : vector<1x256xf32> to vector<10112x256xf32>
    %mul3A_29 = arith.mulf %add3A_27, %mul3A_28 : vector<10112x256xf32>
    %get3A_30 = arith.constant 0 : index
    %get3A_31 = arith.constant 0 : index
    %get3A_32 = vector.load %arg5[%get3A_30, %get3A_31] : memref<1x256xf32, #tpu.memory_space<vmem>>, vector<1x256xf32>
    %add3A_33 = vector.broadcast %get3A_32 : vector<1x256xf32> to vector<10112x256xf32>
    %add3A_34 = arith.addf %mul3A_29, %add3A_33 : vector<10112x256xf32>
    %ge3A = arith.constant 0.000000e+00 : f32
    %ge3A_35 = vector.broadcast %ge3A : f32 to vector<10112x256xf32>
    %ge3A_36 = arith.cmpf oge, %add3A_34, %ge3A_35 : vector<10112x256xf32>
    %get3A_37 = arith.constant 0 : index
    %get3A_38 = arith.constant 0 : index
    %get3A_39 = vector.load %arg6[%get3A_37, %get3A_38] : memref<1x1xf32, #tpu.memory_space<vmem>>, vector<1x1xf32>
    %mul3A_40 = vector.broadcast %get3A_39 : vector<1x1xf32> to vector<10112x256xf32>
    %mul3A_41 = arith.mulf %add3A_34, %mul3A_40 : vector<10112x256xf32>
    %select_n3A = arith.select %ge3A_36, %add3A_34, %mul3A_41 : vector<10112x256xi1>, vector<10112x256xf32>
    %get3A_42 = arith.constant 0 : index
    %get3A_43 = arith.constant 0 : index
    %get3A_44 = vector.load %arg7[%get3A_42, %get3A_43] : memref<256x64xf32, #tpu.memory_space<vmem>>, vector<256x64xf32>
    %get3A_45 = arith.constant 0 : index
    %get3A_46 = arith.constant 0 : index
    %get3A_47 = vector.load %arg8[%get3A_45, %get3A_46] : memref<128x64xf32, #tpu.memory_space<vmem>>, vector<64x64xf32>
    %dot_general3A_48 = arith.constant dense<0.000000e+00> : vector<256x64xf32>
    %dot_general3A_49 = tpu.matmul %get3A_44, %get3A_47, %dot_general3A_48 {dimension_numbers = #tpu.dot_dimension_numbers<[1], [0], [0], [1], [0, 0, 1, 1], [], []>, transpose_lhs_hint = false} : vector<256x64xf32>, vector<64x64xf32>, vector<256x64xf32> -> vector<256x64xf32>
    %get3A_50 = arith.constant 0 : index
    %get3A_51 = arith.constant 0 : index
    %get3A_52 = vector.load %arg7[%get3A_50, %get3A_51] : memref<256x64xf32, #tpu.memory_space<vmem>>, vector<256x64xf32>
    %get3A_53 = arith.constant 64 : index
    %get3A_54 = arith.constant 0 : index
    %get3A_55 = vector.load %arg8[%get3A_53, %get3A_54] : memref<128x64xf32, #tpu.memory_space<vmem>>, vector<64x64xf32>
    %dot_general3A_56 = arith.constant dense<0.000000e+00> : vector<256x64xf32>
    %dot_general3A_57 = tpu.matmul %get3A_52, %get3A_55, %dot_general3A_56 {dimension_numbers = #tpu.dot_dimension_numbers<[1], [0], [0], [1], [0, 0, 1, 1], [], []>, transpose_lhs_hint = false} : vector<256x64xf32>, vector<64x64xf32>, vector<256x64xf32> -> vector<256x64xf32>
    %concatenate3A = tpu.concatenate %dot_general3A_49, %dot_general3A_57 in 1 : vector<256x64xf32>, vector<256x64xf32> -> vector<256x128xf32>
    %dot_general3A_58 = arith.constant dense<0.000000e+00> : vector<10112x128xf32>
    %dot_general3A_59 = tpu.matmul %select_n3A, %concatenate3A, %dot_general3A_58 {dimension_numbers = #tpu.dot_dimension_numbers<[1], [0], [0], [1], [0, 0, 1, 1], [], []>, transpose_lhs_hint = false} : vector<10112x256xf32>, vector<256x128xf32>, vector<10112x128xf32> -> vector<10112x128xf32>
    %mul3A_60 = vector.broadcast %get3A_1 : vector<10112x1xf32> to vector<10112x128xf32>
    %mul3A_61 = arith.mulf %dot_general3A_59, %mul3A_60 : vector<10112x128xf32>
    %swap3A = arith.constant 0 : index
    %swap3A_62 = arith.constant 0 : index
    %swap3A_63 = vector.load %arg9[%swap3A, %swap3A_62] : memref<10112x128xf32, #tpu.memory_space<vmem>>, vector<10112x128xf32>
    tpu.vector_store %arg9[%swap3A, %swap3A_62], %mul3A_61 {strides = array<i32>} : memref<10112x128xf32, #tpu.memory_space<vmem>>, vector<10112x128xf32>,
    return
  }
}

module attributes {stable_mosaic.version = 14 : i64} {
  func.func @body(%arg0: memref<2x10112x128xf32, #tpu.memory_space<vmem>>, %arg1: memref<10112x1xf32, #tpu.memory_space<vmem>>, %arg2: memref<1x64xf32, #tpu.memory_space<vmem>>, %arg3: memref<128x64xf32, #tpu.memory_space<vmem>>, %arg4: memref<1x64xf32, #tpu.memory_space<vmem>>, %arg5: memref<10112x128xf32, #tpu.memory_space<vmem>>) attributes {dimension_semantics = [], scalar_prefetch = 0 : i64, scratch_operands = 0 : i64, tpu.core_type = #tpu.core_type<tc>} {
    %get3A = arith.constant 0 : index
    %get3A_0 = arith.constant 0 : index
    %get3A_1 = vector.load %arg2[%get3A, %get3A_0] : memref<1x64xf32, #tpu.memory_space<vmem>>, vector<1x64xf32>
    %get3A_2 = arith.constant 0 : index
    %get3A_3 = arith.constant 0 : index
    %get3A_4 = vector.load %arg3[%get3A_2, %get3A_3] : memref<128x64xf32, #tpu.memory_space<vmem>>, vector<64x64xf32>
    %dot_general3A = arith.constant dense<0.000000e+00> : vector<1x64xf32>
    %dot_general3A_5 = tpu.matmul %get3A_1, %get3A_4, %dot_general3A {dimension_numbers = #tpu.dot_dimension_numbers<[1], [0], [0], [1], [0, 0, 1, 1], [], []>, transpose_lhs_hint = false} : vector<1x64xf32>, vector<64x64xf32>, vector<1x64xf32> -> vector<1x64xf32>
    %get3A_6 = arith.constant 0 : index
    %get3A_7 = arith.constant 0 : index
    %get3A_8 = vector.load %arg4[%get3A_6, %get3A_7] : memref<1x64xf32, #tpu.memory_space<vmem>>, vector<1x64xf32>
    %add3A = arith.addf %dot_general3A_5, %get3A_8 : vector<1x64xf32>
    %get3A_9 = arith.constant 0 : index
    %get3A_10 = arith.constant 0 : index
    %get3A_11 = vector.load %arg2[%get3A_9, %get3A_10] : memref<1x64xf32, #tpu.memory_space<vmem>>, vector<1x64xf32>
    %get3A_12 = arith.constant 64 : index
    %get3A_13 = arith.constant 0 : index
    %get3A_14 = vector.load %arg3[%get3A_12, %get3A_13] : memref<128x64xf32, #tpu.memory_space<vmem>>, vector<64x64xf32>
    %dot_general3A_15 = arith.constant dense<0.000000e+00> : vector<1x64xf32>
    %dot_general3A_16 = tpu.matmul %get3A_11, %get3A_14, %dot_general3A_15 {dimension_numbers = #tpu.dot_dimension_numbers<[1], [0], [0], [1], [0, 0, 1, 1], [], []>, transpose_lhs_hint = false} : vector<1x64xf32>, vector<64x64xf32>, vector<1x64xf32> -> vector<1x64xf32>
    %concatenate3A = tpu.concatenate %add3A, %dot_general3A_16 in 1 : vector<1x64xf32>, vector<1x64xf32> -> vector<1x128xf32>
    %get3A_17 = arith.constant 0 : index
    %get3A_18 = arith.constant 0 : index
    %get3A_19 = arith.constant 0 : index
    %get3A_20 = vector.load %arg0[%get3A_17, %get3A_18, %get3A_19] : memref<2x10112x128xf32, #tpu.memory_space<vmem>>, vector<1x10112x128xf32>
    %get3A_21 = vector.shape_cast %get3A_20 : vector<1x10112x128xf32> to vector<10112x128xf32>
    %get3A_22 = arith.constant 1 : index
    %get3A_23 = arith.constant 0 : index
    %get3A_24 = arith.constant 0 : index
    %get3A_25 = vector.load %arg0[%get3A_22, %get3A_23, %get3A_24] : memref<2x10112x128xf32, #tpu.memory_space<vmem>>, vector<1x10112x128xf32>
    %get3A_26 = vector.shape_cast %get3A_25 : vector<1x10112x128xf32> to vector<10112x128xf32>
    %add3A_27 = arith.addf %get3A_21, %get3A_26 : vector<10112x128xf32>
    %get3A_28 = arith.constant 0 : index
    %get3A_29 = arith.constant 0 : index
    %get3A_30 = vector.load %arg1[%get3A_28, %get3A_29] : memref<10112x1xf32, #tpu.memory_space<vmem>>, vector<10112x1xf32>
    %mul3A = vector.broadcast %get3A_30 : vector<10112x1xf32> to vector<10112x128xf32>
    %mul3A_31 = arith.mulf %add3A_27, %mul3A : vector<10112x128xf32>
    %add3A_32 = vector.broadcast %concatenate3A : vector<1x128xf32> to vector<10112x128xf32>
    %add3A_33 = arith.addf %mul3A_31, %add3A_32 : vector<10112x128xf32>
    %swap3A = arith.constant 0 : index
    %swap3A_34 = arith.constant 0 : index
    %swap3A_35 = vector.load %arg5[%swap3A, %swap3A_34] : memref<10112x128xf32, #tpu.memory_space<vmem>>, vector<10112x128xf32>
    tpu.vector_store %arg5[%swap3A, %swap3A_34], %add3A_33 {strides = array<i32>} : memref<10112x128xf32, #tpu.memory_space<vmem>>, vector<10112x128xf32>,
    return
  }
}

module attributes {stable_mosaic.version = 14 : i64} {
  func.func @body(%arg0: i32, %arg1: memref<12800x64xf32, #tpu.memory_space<vmem>>, %arg2: memref<1x64xf32, #tpu.memory_space<vmem>>, %arg3: memref<1x1xf32, #tpu.memory_space<vmem>>, %arg4: memref<12800x1xf32, #tpu.memory_space<vmem>>) attributes {dimension_semantics = [#tpu.dimension_semantics<arbitrary>], iteration_bounds = array<i64: 8>, scalar_prefetch = 0 : i64, scratch_operands = 0 : i64, tpu.core_type = #tpu.core_type<tc>, window_params = [{transform_indices = @transform_0, window_bounds = array<i64: 12800, 64>}, {pipeline_mode = #tpu.pipeline_mode<synchronous>, transform_indices = @transform_1, window_bounds = array<i64: 1, 64>}, {pipeline_mode = #tpu.pipeline_mode<synchronous>, transform_indices = @transform_2, window_bounds = array<i64: 1, 1>}, {transform_indices = @transform_3, window_bounds = array<i64: 12800, 1>}]} {
    %get3A = arith.constant 0 : index
    %get3A_0 = arith.constant 0 : index
    %get3A_1 = vector.load %arg1[%get3A, %get3A_0] : memref<12800x64xf32, #tpu.memory_space<vmem>>, vector<12800x64xf32>
    %max3A = arith.constant 0.000000e+00 : f32
    %max3A_2 = vector.broadcast %max3A : f32 to vector<12800x64xf32>
    %max3A_3 = arith.maximumf %get3A_1, %max3A_2 : vector<12800x64xf32>
    %get3A_4 = arith.constant 0 : index
    %get3A_5 = arith.constant 0 : index
    %get3A_6 = vector.load %arg2[%get3A_4, %get3A_5] : memref<1x64xf32, #tpu.memory_space<vmem>>, vector<1x64xf32>
    %mul3A = vector.broadcast %get3A_6 : vector<1x64xf32> to vector<12800x64xf32>
    %mul3A_7 = arith.mulf %max3A_3, %mul3A : vector<12800x64xf32>
    %reduce_sum3A = arith.constant dense<0.000000e+00> : vector<12800xf32>
    %reduce_sum3A_8 = vector.multi_reduction <add>, %mul3A_7, %reduce_sum3A [1] : vector<12800x64xf32> to vector<12800xf32>
    %broadcast_in_dim3A = vector.shape_cast %reduce_sum3A_8 : vector<12800xf32> to vector<12800x1xf32>
    %get3A_9 = arith.constant 0 : index
    %get3A_10 = arith.constant 0 : index
    %get3A_11 = vector.load %arg3[%get3A_9, %get3A_10] : memref<1x1xf32, #tpu.memory_space<vmem>>, vector<1x1xf32>
    %add3A = vector.broadcast %get3A_11 : vector<1x1xf32> to vector<12800x1xf32>
    %add3A_12 = arith.addf %broadcast_in_dim3A, %add3A : vector<12800x1xf32>
    %swap3A = arith.constant 0 : index
    %swap3A_13 = arith.constant 0 : index
    %swap3A_14 = vector.load %arg4[%swap3A, %swap3A_13] : memref<12800x1xf32, #tpu.memory_space<vmem>>, vector<12800x1xf32>
    tpu.vector_store %arg4[%swap3A, %swap3A_13], %add3A_12 {strides = array<i32>} : memref<12800x1xf32, #tpu.memory_space<vmem>>, vector<12800x1xf32>,
    return
  }
  func.func @transform_0(%arg0: i32) -> (i32, i32) {
    %c0_i32 = arith.constant 0 : i32
    %c0_i32_0 = arith.constant 0 : i32
    return %arg0, %c0_i32 : i32, i32
  }
  func.func @transform_1(%arg0: i32) -> (i32, i32) {
    %c0_i32 = arith.constant 0 : i32
    %c0_i32_0 = arith.constant 0 : i32
    %c0_i32_1 = arith.constant 0 : i32
    return %c0_i32, %c0_i32_0 : i32, i32
  }
  func.func @transform_2(%arg0: i32) -> (i32, i32) {
    %c0_i32 = arith.constant 0 : i32
    %c0_i32_0 = arith.constant 0 : i32
    %c0_i32_1 = arith.constant 0 : i32
    return %c0_i32, %c0_i32_0 : i32, i32
  }
  func.func @transform_3(%arg0: i32) -> (i32, i32) {
    %c0_i32 = arith.constant 0 : i32
    %c0_i32_0 = arith.constant 0 : i32
    return %arg0, %c0_i32 : i32, i32
  }
}

</mosaic_0001>

<sc_bundles>
// kernel: kernel.10.cloned.1.call-start
scs
__scs_entry_jumppad:
0x0: {  	(pc) =	sbr.rel $0x88, $3  }
0x1: {  	(tag) =	ssettag $0x0;
	lr =	simm.s32 $0x1  }
0x2: {  	[smem:$0x3F92] =	sst lr;
	_ =	strace $0xD0000000  }
0x3: {  	_ = 	snop  }
0x4: {  	_ = 	snop  }
0x5: {  	_ = 	snop  }
0x6: {  	_ = 	snop  }
0x7: {  	_ = 	snop  }
__scs_overlays_trampoline_lowered:
0x8: {  	[smem:$0x3FA1] =	sst s0  }
0x9: {  	[smem:$0x3FA2] =	sst s1  }
0xa: {  	[smem:$0x3FA3] =	sst s2  }
0xb: {  	[smem:$0x3FA4] =	sst s3  }
0xc: {  	[smem:$0x3FA5] =	sst s4  }
0xd: {  	[smem:$0x3FA6] =	sst s5  }
0xe: {  	[smem:$0x3FA7] =	sst s6  }
0xf: {  	[smem:$0x3FA8] =	sst s7  }
0x10: {  	[smem:$0x3FA9] =	sst s8  }
0x11: {  	[smem:$0x3FAA] =	sst s9;
	s0 =	simm.s32 @!p0 $0x0  }
0x12: {  	s1 =	sld [smem:$0x3F90];
	s0 =	simm.s32 @p0 $0x1  }
0x13: {  	[smem:$0x3FAB] =	sst s0;
	s0 =	simm.s32 @!p1 $0x0  }
0x14: {  	s2 =	sld [smem:$0x3F8F];
	s0 =	simm.s32 @p1 $0x1  }
0x15: {  	[smem:$0x3FAC] =	sst s0;
	s0 =	simm.s32 @!p2 $0x0  }
0x16: {  	s3 =	sld [smem:$0x3FDB];
	s0 =	simm.s32 @p2 $0x1  }
0x17: {  	s4 =	simm.s32 $0x1BF5;
	[smem:$0x3FAE] =	sst s0  }
0x18: {  	s0 =	sld [smem:$0x3F91];
	_ =	swait.ge [sflag:s4], $0x0  }
0x19: {  	s7 =	sld [smem:$0x3F92]  }
0x1a: {  	s8 =	sadd.s32 $0xFFFFE003, lr  }
0x1b: {  	s9 =	sadd.s32 $0xFFFFFEF7, lr;
	s5 =	simm.s32 $0xFFFFFFFF;
	p2 =	slt.u32 s8, $0xFFFFF086  }
0x1c: {  	p1 =	slt.u32 s9, $0xF7A;
	s5 =	simm.s32 @!p2 $0x0  }
0x1d: {  	s5 =	simm.s32 @p1 $0x1;
	p0 =	seq.s32 s7, s2  }
0x1e: {  	s7 =	smul.u32 @!p0 $0xF7A, s2;
	p2 =	seq.s32 @!p0 s5, $0x0  }
0x1f: {  	s9 =	smul.u32 $0xF7A, s1;
	s8 =	simm.s32 @!p0 $0x1BF5;
	p2 =	por !p2, p0  }
0x20: {  	[sflag:s8] =	ssyncset.s32 @!p0 $0xFFFFF086;
	s6 =	sadd.s32 @!p0 s3, s7;
	s7 =	simm.s32 @!p0 $0x108  }
0x21: {  	s3 =	sadd.s32 s3, s9;
	s6 =	sadd.s32 @!p0 $0x88, s6;
	s7 =	simm.s32 @p2 $0x1082  }
0x22: {  	[simem:s7], [sflag:s8] =	dma.local @!p0 [hbm:s6], $0xF7A  }
0x23: {  	s9 =	sor.u32 $0xD0000000, s2;
	s6 =	simm.s32 $0x108;
	_ =	swait.ge @!p0 [sflag:s8], $0x0  }
0x24: {  	s3 =	sadd.s32 $0x88, s3;
	s6 =	simm.s32 @!p1 $0x1082;
	[sflag:s4] =	ssyncset.s32 $0xFFFFF086  }
0x25: {  	[simem:s6], [sflag:s4] =	dma.local [hbm:s3], $0xF7A  }
0x26: {  	[smem:$0x3F92] =	sst s1;
	(tag) =	ssettag s2;
	_ =	strace s9  }
0x27: {  	s1 =	sld [smem:$0x3FA2]  }
0x28: {  	s2 =	sld [smem:$0x3FA3]  }
0x29: {  	s4 =	sld [smem:$0x3FA5]  }
0x2a: {  	p0 =	seq.s32 s5, $0x0;
	s5 =	sld [smem:$0x3FA6]  }
0x2b: {  	s6 =	sld [smem:$0x3FA7]  }
0x2c: {  	s7 =	sld [smem:$0x3FA8]  }
0x2d: {  	s3 =	simm.s32 $0x108;
	s8 =	sld [smem:$0x3FA9]  }
0x2e: {  	s3 =	simm.s32 @!p0 $0x1082;
	s9 =	sld [smem:$0x3FAA]  }
0x2f: {  	lr =	sadd.s32 s0, s3;
	s0 =	sld [smem:$0x3FA1]  }
0x30: {  	s3 =	sld [smem:$0x3FA4]  }
0x31: {  	[smem:$0x3FAD] =	sst s10  }
0x32: {  	s10 =	sld [smem:$0x3FAB];
	_ =	sdelay $0x3  }
0x33: {  	p0 =	seq.s32 s10, $0x1;
	s10 =	sld [smem:$0x3FAD];
	_ =	sdelay $0x3  }
0x34: {  	[smem:$0x3FAD] =	sst s10  }
0x35: {  	s10 =	sld [smem:$0x3FAC];
	_ =	sdelay $0x3  }
0x36: {  	p1 =	seq.s32 s10, $0x1;
	s10 =	sld [smem:$0x3FAD];
	_ =	sdelay $0x3  }
0x37: {  	[smem:$0x3FAD] =	sst s10  }
0x38: {  	s10 =	sld [smem:$0x3FAE]  }
0x39: {  	_ = 	snop;
	(pc) =	sbr.ind lr, $3  }
0x3a: {  	_ = 	snop  }
0x3b: {  	_ = 	snop  }
0x3c: {  	p2 =	seq.s32 s10, $0x1;
	s10 =	sld [smem:$0x3FAD]  }
0x3d: {  	_ =	shalt  }
0x3e: {  	_ =	shalt  }
0x3f: {  	_ =	shalt  }
0x40: {  	_ =	shalt  }
0x41: {  	_ =	shalt  }
0x42: {  	_ =	shalt  }
0x43: {  	_ =	shalt  }
0x44: {  	_ =	shalt  }
0x45: {  	_ =	shalt  }
0x46: {  	_ =	shalt  }
0x47: {  	_ =	shalt  }
0x48: {  	_ =	shalt  }
0x49: {  	_ =	shalt  }
0x4a: {  	_ =	shalt  }
0x4b: {  	_ =	shalt  }
0x4c: {  	_ =	shalt  }
0x4d: {  	_ =	shalt  }
0x4e: {  	_ =	shalt  }
0x4f: {  	_ =	shalt  }
0x50: {  	_ =	shalt  }
0x51: {  	_ =	shalt  }
0x52: {  	_ =	shalt  }
0x53: {  	_ =	shalt  }
0x54: {  	_ =	shalt  }
0x55: {  	_ =	shalt  }
0x56: {  	_ =	shalt  }
0x57: {  	_ =	shalt  }
0x58: {  	_ =	shalt  }
0x59: {  	_ =	shalt  }
0x5a: {  	_ =	shalt  }
0x5b: {  	_ =	shalt  }
0x5c: {  	_ =	shalt  }
0x5d: {  	_ =	shalt  }
0x5e: {  	_ =	shalt  }
0x5f: {  	_ =	shalt  }
0x60: {  	_ =	shalt  }
0x61: {  	_ =	shalt  }
0x62: {  	_ =	shalt  }
0x63: {  	_ =	shalt  }
0x64: {  	_ =	shalt  }
0x65: {  	_ =	shalt  }
0x66: {  	_ =	shalt  }
0x67: {  	_ =	shalt  }
0x68: {  	_ =	shalt  }
0x69: {  	_ =	shalt  }
0x6a: {  	_ =	shalt  }
0x6b: {  	_ =	shalt  }
0x6c: {  	_ =	shalt  }
0x6d: {  	_ =	shalt  }
0x6e: {  	_ =	shalt  }
0x6f: {  	_ =	shalt  }
0x70: {  	_ =	shalt  }
0x71: {  	_ =	shalt  }
0x72: {  	_ =	shalt  }
0x73: {  	_ =	shalt  }
0x74: {  	_ =	shalt  }
0x75: {  	_ =	shalt  }
0x76: {  	_ =	shalt  }
0x77: {  	_ =	shalt  }
0x78: {  	_ =	shalt  }
0x79: {  	_ =	shalt  }
0x7a: {  	_ =	shalt  }
0x7b: {  	_ =	shalt  }
0x7c: {  	_ =	shalt  }
0x7d: {  	_ =	shalt  }
0x7e: {  	_ =	shalt  }
0x7f: {  	_ =	shalt  }
0x80: {  	_ =	shalt  }
0x81: {  	_ =	shalt  }
0x82: {  	_ =	shalt  }
0x83: {  	_ =	shalt  }
0x84: {  	_ =	shalt  }
0x85: {  	_ =	shalt  }
0x86: {  	_ =	shalt  }
0x87: {  	_ =	shalt  }
.Lfunc_end0:
.L_simem_size_0:
called_computation_lowered:
.L_overlay_start_0:
0x88: {  	s2 =	sld [smem:$0x3FD9]  }
0x89: {  	s3 =	sld [smem:$0x3FFE];
	_ =	sdelay $0x1  }
0x8a: {  	s1 =	srdreg.scid  }
0x8b: {  	s0 =	sand.u32 $0x1, s1  }
0x8c: {  	s16 =	sshll.u32 s0, $0xA;
	s2 =	sadd.s32 s3, s2  }
0x8d: {  	s2 =	sadd.s32 s2, s16  }
0x8e: {  	[smem:$0x3FB9] =	sst s2  }
0x8f: {  	_ = 	snop  }
0x90: {  	(tm) =	ssettm $0x1  }
0x91: {  	s17 =	sld [smem:$0x3FFB];
	_ =	sdelay $0x3  }
0x92: {  	_ =	strace s17  }
0x93: {  	s2 =	sld [smem:$0x3FFC];
	_ =	sdelay $0x3  }
0x94: {  	_ =	strace s2  }
0x95: {  	s2 =	sld [smem:$0x3FFD];
	_ =	sdelay $0x3  }
0x96: {  	_ =	strace s2  }
0x97: {  	_ =	strace $0x8FFFFFFF  }
0x98: {  	s18 =	sld [smem:$0x3FDB];
	_ =	sdelay $0x1  }
0x99: {  	s19 =	simm.s32 $_scs_section_size  }
0x9a: {  	s4 =	simm.s32 $_size__tile_overlayer_lowered;
	s5 =	simm.s32 $_tile_overlayer_lowered  }
0x9b: {  	s22 =	simm.s32 $0x1BFF;
	s21 =	sshll.u32 s5, $0x1;
	s2 =	sadd.s32 s19, s18  }
0x9c: {  	s6 =	simm.s32 $0x0;
	s20 =	sshll.u32 s4, $0x1;
	s4 =	sadd.s32 s21, s2  }
0x9d: {  	[timem:s6], [sflag:s22] =	dma.local [hbm:s4], s20  }
0x9e: {  	_ =	swait.ge [sflag:s22], s20  }
0x9f: {  	s3 =	ssub.s32 $0x0, s20;
	[sflag:s22] =	ssyncset.done $0x0  }
0xa0: {  	[sflag:s22] =	ssyncadd.s32 s3;
	_ =	sdelay $0x1  }
0xa1: {  	s23 =	simm.s32 $0x1B8B  }
0xa2: {  	_ =	swait.ge [sflag:s23], $0x1  }
0xa3: {  	[sflag:s23] =	ssyncset.done $0x0  }
0xa4: {  	s25 =	simm.s32 $0x1B8E;
	s24 =	sld [smem:$0x3FFE];
	[sflag:s23] =	ssyncadd.s32 $0xFFFFFFFF  }
0xa5: {  	s26 =	simm.s32 $execute0_lowered;
	[smem:$0x3FD2] =	sst s25  }
0xa6: {  	s4 =	sshll.u32 s26, $0x1;
	_ =	strace $0x80000046;
	[dreg:$0x1] =	wrdreg $0xFFFFFFFF  }
0xa7: {  	s28 =	simm.s32 $_size_execute0_lowered;
	s2 =	sadd.s32 s2, s4;
	[dreg:$0x0] =	wrdreg $0x0  }
0xa8: {  	s4 =	sshll.u32 s28, $0x1;
	[dreg:$0x2] =	wrdreg s2  }
0xa9: {  	[dreg:$0x3] =	wrdreg s4  }
0xaa: {  	[dreg:$0x4] =	wrdreg $0xC0  }
0xab: {  	_ =	task [dreg:s6], $0x5FFFF  }
0xac: {  	[dreg:$0x1] =	wrdreg $0xFFFFFFFF  }
0xad: {  	[dreg:$0x0] =	wrdreg $0x60  }
0xae: {  	[dreg:$0x2] =	wrdreg s24  }
0xaf: {  	[dreg:$0x3] =	wrdreg $0x41000  }
0xb0: {  	[dreg:$0x4] =	wrdreg $0x9  }
0xb1: {  	_ =	task.clear_ibuf [dreg:s6], $0x5FFFF;
	_ =	strace $0x90000046  }
0xb2: {  	s29 =	simm.s32 $0x9;
	_ =	strace $0x80000048  }
0xb3: {  	_ =	swait.ge [sflag:s29], $0x1  }
0xb4: {  	[sflag:s29] =	ssyncadd.s32 $0xFFFFFFFF  }
0xb5: {  	_ =	strace $0x90000048  }
0xb6: {  	_ =	sfence  }
0xb7: {  	s30 =	sld [smem:$0x0];
	_ =	sdelay $0x2  }
0xb8: {  	s31 =	sshll.u32 s1, $0xD;
	s1 =	sshrl.u32 s1, $0x2  }
0xb9: {  	s3 =	sand.u32 $0x4000, s31;
	s1 =	sadd.s32 s1, s30  }
0xba: {  	s0 =	sor.u32 s3, s0;
	s1 =	sshll.u32 s1, $0x11  }
0xbb: {  	s0 =	sor.u32 s1, s0  }
0xbc: {  	s0 =	sadd.s32 $0x8F2B, s0  }
0xbd: {  	[sflag:s0] =	ssyncadd.remote.s32 $0x1  }
0xbe: {  	_ =	sfence.sel $0xFFFF  }
0xbf: {  	[dreg:$0x0] =	wrdreg $0xFFFFFFFF;
	(pc) =	sbr.abs _section_cstart, $3  }
0xc0: {  	[dreg:$0x1] =	wrdreg $0xFFFFFFFF  }
0xc1: {  	_ =	task.clear_ibuf [dreg:s6], $0x2FFFF;
	_ =	strace $0x9FFFFFFF  }
0xc2: {  	(tm) =	ssettm $0x7FFFFFFF  }
0xc3: {  	_ =	shalt  }
tec
execute0_lowered:
.L_overlay_start_1:
0x0: {  	(tag) =	ssettag $0x1  }
0x1: {  	s6 =	rddreg [dreg:$0x0]  }
0x2: {  	s1 =	rddreg [dreg:$0x1]  }
0x3: {  	s2 =	srdreg.scid;
	s0 =	rddreg [dreg:$0x2];
	s3 =	simm.s32 $0x0  }
0x4: {  	s14 =	simm.s32 $0x100;
	s15 =	simm.s32 $0x1;
	s7 =	sand.u32 $0x1, s2  }
0x5: {  	s16 =	simm.s32 $0x80;
	s2 =	stileid.u32;
	s5 =	smul.u32 $0x13C000, s7  }
0x6: {  	s19 =	simm.s32 $0x0;
	[smem:$0x7FF] =	sst s3;
	s8 =	smul.u32 $0x13C00, s2  }
0x7: {  	s4 =	sadd.s32 $0xC600, s6;
	_ =	strace $0x80000047;
	s9 =	smul.u32 $0x4F000, s2  }
0x8: {  	s10 =	ssub.s32 $0x2, s7;
	s7 =	sshll.u32 s7, $0x4;
	s17 =	sshll.u32 s2, $0x6  }
0x9: {  	s30 =	sshrl.u32 s10, $0x1;
	s11 =	sor.u32 s2, s7;
	s17 =	sor.u32 $0x1C01, s17  }
0xa: {  	s8 =	sadd.s32 s8, s5;
	s5 =	sadd.s32 $0x2800, s6;
	s31 =	sshrl.u32 s9, $0x2  }
0xb: {  	s13 =	ssub.s32 s10, s30;
	s11 =	smul.u32 $0x4F, s11;
	s8 =	sshrl.u32 s8, $0x3  }
0xc: {  	s13 =	smax.u32 s13, $0x1;
	s12 =	sadd.s32 s8, s6;
	s6 =	sadd.s32 s31, s1  }
0xd: {  	s7 =	sadd.s32 $0x4000, s6;
	s8 =	sadd.s32 $0x8000, s6;
	s9 =	sadd.s32 $0xC000, s6  }
0xe: {  	v0 =	vimm.f32 $0.0e+00;
	s10 =	sadd.s32 $0x10000, s6;
	s12 =	sadd.s32 $0x16400, s12;
	s18 =	sshrl.u32 s6, $0x3  }
.LBB2_1:
0xf: {  	s20 =	simm.s32 $0x200;
	s21 =	simm.s32 $0x0  }
.LBB2_2:
0x10: {  	p0 =	sne.s32 s20, $0xFE00;
	[tilespmem:s21+$0x100] =	vst v0;
	s21 =	smov.u32 s20;
	s20 =	sadd.s32 $0x200, s20  }
.Ltmp0:
0x11: {  	(pc) =	sbr.rel @p0 .LBB2_2-.Ltmp0, $2  }
0x12: {  	_ =	sdelay $0x2  }
0x13: {  	s21 =	sshra.s32 s21, $0x2  }
0x14: {  	[tilespmem:s21+$0x100] =	vst v0  }
0x15: {  	[spmem:s6] =	stream.linear.scatter [tilespmem:s14], [sflag:$0x1], $0x4000, $0x38;
	[tilespmem:$0x6880] =	vst v63  }
0x16: {  	_ =	swait.ge [sflag:s15], $0x4000  }
0x17: {  	[sflag:s15] =	ssyncset.done $0x0  }
0x18: {  	[sflag:s15] =	ssyncadd.s32 $0xFFFFC000  }
0x19: {  	[spmem:s7] =	stream.linear.scatter [tilespmem:s14], [sflag:$0x1], $0x4000, $0x38;
	[tilespmem:$0x6880] =	vst v63  }
0x1a: {  	_ =	swait.ge [sflag:s15], $0x4000  }
0x1b: {  	[sflag:s15] =	ssyncset.done $0x0  }
0x1c: {  	[sflag:s15] =	ssyncadd.s32 $0xFFFFC000  }
0x1d: {  	[spmem:s8] =	stream.linear.scatter [tilespmem:s14], [sflag:$0x1], $0x4000, $0x38;
	[tilespmem:$0x6880] =	vst v63  }
0x1e: {  	_ =	swait.ge [sflag:s15], $0x4000  }
0x1f: {  	[sflag:s15] =	ssyncset.done $0x0  }
0x20: {  	[sflag:s15] =	ssyncadd.s32 $0xFFFFC000  }
0x21: {  	[spmem:s9] =	stream.linear.scatter [tilespmem:s14], [sflag:$0x1], $0x4000, $0x38;
	[tilespmem:$0x6880] =	vst v63  }
0x22: {  	_ =	swait.ge [sflag:s15], $0x4000  }
0x23: {  	[sflag:s15] =	ssyncset.done $0x0  }
0x24: {  	[sflag:s15] =	ssyncadd.s32 $0xFFFFC000  }
0x25: {  	[spmem:s10] =	stream.linear.scatter [tilespmem:s14], [sflag:$0x1], $0x3C00, $0x38;
	[tilespmem:$0x6880] =	vst v63  }
0x26: {  	_ =	swait.ge [sflag:s15], $0x3C00  }
0x27: {  	[sflag:s15] =	ssyncset.done $0x0  }
0x28: {  	[sflag:s15] =	ssyncadd.s32 $0xFFFFC400  }
0x29: {  	s20 =	simm.s32 $0x0;
	s21 =	simm.s32 $0x0;
	[bflag:$0x0] =	sbarrier.arrive $0xFFFF  }
.LBB2_4:
0x2a: {  	s22 =	sadd.s32 s11, s21  }
0x2b: {  	s22 =	sshll.u32 s22, $0x4  }
0x2c: {  	s23 =	sadd.s32 s4, s22  }
0x2d: {  	[tilespmem:s20], [sflag:$0x1] =	stream.linear.gather [hbm4b:s23+s20], $0x80, $0x38;
	[tilespmem:$0x6880] =	vst v63  }
0x2e: {  	_ =	swait.ge [sflag:s15], $0x80  }
0x2f: {  	[sflag:s15] =	ssyncset.done $0x0  }
0x30: {  	v1 =	vmov s20;
	s22 =	sadd.s32 s5, s22;
	[sflag:s15] =	ssyncadd.s32 $0xFFFFFF80  }
0x31: {  	[tilespmem:s16], [sflag:$0x1] =	stream.linear.gather [hbm4b:s22+s20], $0x80, $0x38;
	[tilespmem:$0x6880] =	vst v63  }
0x32: {  	_ =	swait.ge [sflag:s15], $0x80  }
0x33: {  	[sflag:s15] =	ssyncset.done $0x0  }
0x34: {  	[sflag:s15] =	ssyncadd.s32 $0xFFFFFF80  }
0x35: {  	s30 =	simm.s32 $0x1;
	v1 =	vld.idx.msk [tilespmem:v1+s16+$0x0], $0xffff  }
0x36: {  	v2 =	vmov s30;
	_ =	sdelay $0x2  }
0x37: {  	s22 =	simm.s32 $0x100  }
0x38: {  	[tilespmem:s22+$0x0] =	vst v1  }
0x39: {  	s31 =	simm.s32 $0x2;
	v1 =	vld.idx.msk [tilespmem:v2+s16+$0x0], $0xffff  }
0x3a: {  	s23 =	simm.s32 $0x3;
	v2 =	vmov s31  }
.LBB2_5:
0x3b: {  	p0 =	sne.s32 s23, $0x7F;
	_ =	sdelay $0x1  }
.Ltmp1:
0x3c: {  	s22 =	sadd.s32 $0x80, s22;
	(pc) =	sbr.rel @p0 .LBB2_5-.Ltmp1, $3  }
0x3d: {  	[tilespmem:s22+$0x0] =	vst v1  }
0x3e: {  	v1 =	vld.idx.msk [tilespmem:v2+s16+$0x0], $0xffff;
	_ =	sdelay $0x1  }
0x3f: {  	v2 =	vmov s23;
	s23 =	sadd.s32 $0x1, s23  }
0x40: {  	_ =	sdelay $0x1  }
0x41: {  	s22 =	sadd.s32 $0x80, s22  }
0x42: {  	[tilespmem:s22+$0x0] =	vst v1  }
0x43: {  	v1 =	vld.idx.msk [tilespmem:v2+s16+$0x0], $0xffff;
	_ =	sdelay $0x2  }
0x44: {  	s21 =	sadd.s32 $0x1, s21  }
0x45: {  	p0 =	sne.s32 s21, $0x4F;
	s22 =	sadd.s32 $0x80, s22  }
.Ltmp2:
0x46: {  	[tilespmem:s22+$0x0] =	vst v1;
	(pc) =	sbr.rel @p0 .LBB2_4-.Ltmp2, $4  }
0x47: {  	[spmem:s1] =	stream.indirect.scatter.add.f32 [tilespmem:s14], [sflag:$0x1], $0x10, s3, s16, $0xb8;
	[tilespmem:$0x6880] =	vst v63  }
0x48: {  	_ =	swait.ge [sflag:s15], $0x800  }
0x49: {  	[sflag:s15] =	ssyncset.done $0x0  }
0x4a: {  	[sflag:s15] =	ssyncadd.s32 $0xFFFFF800  }
0x4b: {  	s19 =	sadd.s32 $0x1, s19  }
0x4c: {  	p0 =	sne.s32 s19, s13  }
.Ltmp3:
0x4d: {  	[bflag:$0x0] =	sbarrier.arrive $0xFFFF;
	(pc) =	sbr.rel @p0 .LBB2_1-.Ltmp3, $4  }
0x4e: {  	[hbm:s12], [sflag:s17] =	dma.local [spmem:s18], $0x2780  }
0x4f: {  	_ =	swait.ge [sflag:s15], $0x2780  }
0x50: {  	[sflag:s15] =	ssyncset.done $0x0  }
0x51: {  	[sflag:s15] =	ssyncadd.s32 $0xFFFFD880  }
0x52: {  	_ =	sfence.sel $0x180000  }
0x53: {  	[bflag:$0x0] =	sbarrier.arrive $0xFFFF  }
0x54: {  	p0 =	sne.s32 s2, $0x0;
	_ =	strace $0x90000047  }
0x55: {  	s0 =	sadd.s32 @!p0 $0x100000, s0;
	[bflag:$0x2] =	sbarrier.arrive $0xFFFF  }
0x56: {  	[sflag:s0] =	ssyncadd.tile.s32 @!p0 $0x1;
	_ =	shalt  }
.Lfunc_end2:
_tile_overlayer_lowered:
.L_overlay_start_2:
0x57: {  	(tag) =	ssettag $0x2  }
0x58: {  	s0 =	rddreg [dreg:$0x0];
	s2 =	stileid.u32  }
0x59: {  	s1 =	rddreg [dreg:$0x1];
	p0 =	sne.s32 s2, $0x0  }
0x5a: {  	s3 =	rddreg [dreg:$0x2];
	[bflag:$0x3] =	sbarrier.arrive $0xFFFF;
	s2 =	simm.s32 @!p0 $0x1C01  }
0x5b: {  	[timem:s3], [sflag:s2] =	dma.local @!p0 [hbm:s0], s1  }
0x5c: {  	s0 =	simm.s32 @!p0 $0x1  }
0x5d: {  	_ =	swait.ge @!p0 [sflag:s0], s1  }
0x5e: {  	s1 =	ssub.s32 @!p0 $0x0, s1;
	[sflag:s0] =	ssyncset.done @!p0 $0x0  }
0x5f: {  	[sflag:s0] =	ssyncadd.s32 @!p0 s1  }
0x60: {  	[bflag:$0x3] =	sbarrier.arrive $0xFFFF  }
0x61: {  	_ =	shalt  }

// kernel: kernel.13.cloned.1.call-start
scs
__scs_entry_jumppad:
0x0: {  	(pc) =	sbr.rel $0x88, $3  }
0x1: {  	(tag) =	ssettag $0x0;
	lr =	simm.s32 $0x1  }
0x2: {  	[smem:$0x3F92] =	sst lr;
	_ =	strace $0xD0000000  }
0x3: {  	_ = 	snop  }
0x4: {  	_ = 	snop  }
0x5: {  	_ = 	snop  }
0x6: {  	_ = 	snop  }
0x7: {  	_ = 	snop  }
__scs_overlays_trampoline_lowered:
0x8: {  	[smem:$0x3FA1] =	sst s0  }
0x9: {  	[smem:$0x3FA2] =	sst s1  }
0xa: {  	[smem:$0x3FA3] =	sst s2  }
0xb: {  	[smem:$0x3FA4] =	sst s3  }
0xc: {  	[smem:$0x3FA5] =	sst s4  }
0xd: {  	[smem:$0x3FA6] =	sst s5  }
0xe: {  	[smem:$0x3FA7] =	sst s6  }
0xf: {  	[smem:$0x3FA8] =	sst s7  }
0x10: {  	[smem:$0x3FA9] =	sst s8  }
0x11: {  	[smem:$0x3FAA] =	sst s9;
	s0 =	simm.s32 @!p0 $0x0  }
0x12: {  	s1 =	sld [smem:$0x3F90];
	s0 =	simm.s32 @p0 $0x1  }
0x13: {  	[smem:$0x3FAB] =	sst s0;
	s0 =	simm.s32 @!p1 $0x0  }
0x14: {  	s2 =	sld [smem:$0x3F8F];
	s0 =	simm.s32 @p1 $0x1  }
0x15: {  	[smem:$0x3FAC] =	sst s0;
	s0 =	simm.s32 @!p2 $0x0  }
0x16: {  	s3 =	sld [smem:$0x3FDB];
	s0 =	simm.s32 @p2 $0x1  }
0x17: {  	s4 =	simm.s32 $0x1BF5;
	[smem:$0x3FAE] =	sst s0  }
0x18: {  	s0 =	sld [smem:$0x3F91];
	_ =	swait.ge [sflag:s4], $0x0  }
0x19: {  	s7 =	sld [smem:$0x3F92]  }
0x1a: {  	s8 =	sadd.s32 $0xFFFFE003, lr  }
0x1b: {  	s9 =	sadd.s32 $0xFFFFFEF7, lr;
	s5 =	simm.s32 $0xFFFFFFFF;
	p2 =	slt.u32 s8, $0xFFFFF086  }
0x1c: {  	p1 =	slt.u32 s9, $0xF7A;
	s5 =	simm.s32 @!p2 $0x0  }
0x1d: {  	s5 =	simm.s32 @p1 $0x1;
	p0 =	seq.s32 s7, s2  }
0x1e: {  	s7 =	smul.u32 @!p0 $0xF7A, s2;
	p2 =	seq.s32 @!p0 s5, $0x0  }
0x1f: {  	s9 =	smul.u32 $0xF7A, s1;
	s8 =	simm.s32 @!p0 $0x1BF5;
	p2 =	por !p2, p0  }
0x20: {  	[sflag:s8] =	ssyncset.s32 @!p0 $0xFFFFF086;
	s6 =	sadd.s32 @!p0 s3, s7;
	s7 =	simm.s32 @!p0 $0x108  }
0x21: {  	s3 =	sadd.s32 s3, s9;
	s6 =	sadd.s32 @!p0 $0x88, s6;
	s7 =	simm.s32 @p2 $0x1082  }
0x22: {  	[simem:s7], [sflag:s8] =	dma.local @!p0 [hbm:s6], $0xF7A  }
0x23: {  	s9 =	sor.u32 $0xD0000000, s2;
	s6 =	simm.s32 $0x108;
	_ =	swait.ge @!p0 [sflag:s8], $0x0  }
0x24: {  	s3 =	sadd.s32 $0x88, s3;
	s6 =	simm.s32 @!p1 $0x1082;
	[sflag:s4] =	ssyncset.s32 $0xFFFFF086  }
0x25: {  	[simem:s6], [sflag:s4] =	dma.local [hbm:s3], $0xF7A  }
0x26: {  	[smem:$0x3F92] =	sst s1;
	(tag) =	ssettag s2;
	_ =	strace s9  }
0x27: {  	s1 =	sld [smem:$0x3FA2]  }
0x28: {  	s2 =	sld [smem:$0x3FA3]  }
0x29: {  	s4 =	sld [smem:$0x3FA5]  }
0x2a: {  	p0 =	seq.s32 s5, $0x0;
	s5 =	sld [smem:$0x3FA6]  }
0x2b: {  	s6 =	sld [smem:$0x3FA7]  }
0x2c: {  	s7 =	sld [smem:$0x3FA8]  }
0x2d: {  	s3 =	simm.s32 $0x108;
	s8 =	sld [smem:$0x3FA9]  }
0x2e: {  	s3 =	simm.s32 @!p0 $0x1082;
	s9 =	sld [smem:$0x3FAA]  }
0x2f: {  	lr =	sadd.s32 s0, s3;
	s0 =	sld [smem:$0x3FA1]  }
0x30: {  	s3 =	sld [smem:$0x3FA4]  }
0x31: {  	[smem:$0x3FAD] =	sst s10  }
0x32: {  	s10 =	sld [smem:$0x3FAB];
	_ =	sdelay $0x3  }
0x33: {  	p0 =	seq.s32 s10, $0x1;
	s10 =	sld [smem:$0x3FAD];
	_ =	sdelay $0x3  }
0x34: {  	[smem:$0x3FAD] =	sst s10  }
0x35: {  	s10 =	sld [smem:$0x3FAC];
	_ =	sdelay $0x3  }
0x36: {  	p1 =	seq.s32 s10, $0x1;
	s10 =	sld [smem:$0x3FAD];
	_ =	sdelay $0x3  }
0x37: {  	[smem:$0x3FAD] =	sst s10  }
0x38: {  	s10 =	sld [smem:$0x3FAE]  }
0x39: {  	_ = 	snop;
	(pc) =	sbr.ind lr, $3  }
0x3a: {  	_ = 	snop  }
0x3b: {  	_ = 	snop  }
0x3c: {  	p2 =	seq.s32 s10, $0x1;
	s10 =	sld [smem:$0x3FAD]  }
0x3d: {  	_ =	shalt  }
0x3e: {  	_ =	shalt  }
0x3f: {  	_ =	shalt  }
0x40: {  	_ =	shalt  }
0x41: {  	_ =	shalt  }
0x42: {  	_ =	shalt  }
0x43: {  	_ =	shalt  }
0x44: {  	_ =	shalt  }
0x45: {  	_ =	shalt  }
0x46: {  	_ =	shalt  }
0x47: {  	_ =	shalt  }
0x48: {  	_ =	shalt  }
0x49: {  	_ =	shalt  }
0x4a: {  	_ =	shalt  }
0x4b: {  	_ =	shalt  }
0x4c: {  	_ =	shalt  }
0x4d: {  	_ =	shalt  }
0x4e: {  	_ =	shalt  }
0x4f: {  	_ =	shalt  }
0x50: {  	_ =	shalt  }
0x51: {  	_ =	shalt  }
0x52: {  	_ =	shalt  }
0x53: {  	_ =	shalt  }
0x54: {  	_ =	shalt  }
0x55: {  	_ =	shalt  }
0x56: {  	_ =	shalt  }
0x57: {  	_ =	shalt  }
0x58: {  	_ =	shalt  }
0x59: {  	_ =	shalt  }
0x5a: {  	_ =	shalt  }
0x5b: {  	_ =	shalt  }
0x5c: {  	_ =	shalt  }
0x5d: {  	_ =	shalt  }
0x5e: {  	_ =	shalt  }
0x5f: {  	_ =	shalt  }
0x60: {  	_ =	shalt  }
0x61: {  	_ =	shalt  }
0x62: {  	_ =	shalt  }
0x63: {  	_ =	shalt  }
0x64: {  	_ =	shalt  }
0x65: {  	_ =	shalt  }
0x66: {  	_ =	shalt  }
0x67: {  	_ =	shalt  }
0x68: {  	_ =	shalt  }
0x69: {  	_ =	shalt  }
0x6a: {  	_ =	shalt  }
0x6b: {  	_ =	shalt  }
0x6c: {  	_ =	shalt  }
0x6d: {  	_ =	shalt  }
0x6e: {  	_ =	shalt  }
0x6f: {  	_ =	shalt  }
0x70: {  	_ =	shalt  }
0x71: {  	_ =	shalt  }
0x72: {  	_ =	shalt  }
0x73: {  	_ =	shalt  }
0x74: {  	_ =	shalt  }
0x75: {  	_ =	shalt  }
0x76: {  	_ =	shalt  }
0x77: {  	_ =	shalt  }
0x78: {  	_ =	shalt  }
0x79: {  	_ =	shalt  }
0x7a: {  	_ =	shalt  }
0x7b: {  	_ =	shalt  }
0x7c: {  	_ =	shalt  }
0x7d: {  	_ =	shalt  }
0x7e: {  	_ =	shalt  }
0x7f: {  	_ =	shalt  }
0x80: {  	_ =	shalt  }
0x81: {  	_ =	shalt  }
0x82: {  	_ =	shalt  }
0x83: {  	_ =	shalt  }
0x84: {  	_ =	shalt  }
0x85: {  	_ =	shalt  }
0x86: {  	_ =	shalt  }
0x87: {  	_ =	shalt  }
.Lfunc_end0:
.L_simem_size_0:
called_computation.1_lowered:
.L_overlay_start_0:
0x88: {  	s2 =	sld [smem:$0x3FD9]  }
0x89: {  	s3 =	sld [smem:$0x3FFE];
	_ =	sdelay $0x1  }
0x8a: {  	s1 =	srdreg.scid  }
0x8b: {  	s0 =	sand.u32 $0x1, s1  }
0x8c: {  	s16 =	sshll.u32 s0, $0xA;
	s2 =	sadd.s32 s3, s2  }
0x8d: {  	s2 =	sadd.s32 s2, s16  }
0x8e: {  	[smem:$0x3FB9] =	sst s2  }
0x8f: {  	_ = 	snop  }
0x90: {  	(tm) =	ssettm $0x1  }
0x91: {  	s17 =	sld [smem:$0x3FFB];
	_ =	sdelay $0x3  }
0x92: {  	_ =	strace s17  }
0x93: {  	s2 =	sld [smem:$0x3FFC];
	_ =	sdelay $0x3  }
0x94: {  	_ =	strace s2  }
0x95: {  	s2 =	sld [smem:$0x3FFD];
	_ =	sdelay $0x3  }
0x96: {  	_ =	strace s2  }
0x97: {  	_ =	strace $0x8FFFFFFF  }
0x98: {  	s18 =	sld [smem:$0x3FDB];
	_ =	sdelay $0x1  }
0x99: {  	s19 =	simm.s32 $_scs_section_size  }
0x9a: {  	s4 =	simm.s32 $_size__tile_overlayer_lowered;
	s5 =	simm.s32 $_tile_overlayer_lowered  }
0x9b: {  	s22 =	simm.s32 $0x1BFF;
	s21 =	sshll.u32 s5, $0x1;
	s2 =	sadd.s32 s19, s18  }
0x9c: {  	s6 =	simm.s32 $0x0;
	s20 =	sshll.u32 s4, $0x1;
	s4 =	sadd.s32 s21, s2  }
0x9d: {  	[timem:s6], [sflag:s22] =	dma.local [hbm:s4], s20  }
0x9e: {  	_ =	swait.ge [sflag:s22], s20  }
0x9f: {  	s3 =	ssub.s32 $0x0, s20;
	[sflag:s22] =	ssyncset.done $0x0  }
0xa0: {  	[sflag:s22] =	ssyncadd.s32 s3;
	_ =	sdelay $0x1  }
0xa1: {  	s23 =	simm.s32 $0x1B8B  }
0xa2: {  	_ =	swait.ge [sflag:s23], $0x1  }
0xa3: {  	[sflag:s23] =	ssyncset.done $0x0  }
0xa4: {  	s25 =	simm.s32 $0x1B8E;
	s24 =	sld [smem:$0x3FFE];
	[sflag:s23] =	ssyncadd.s32 $0xFFFFFFFF  }
0xa5: {  	s26 =	simm.s32 $execute0_lowered;
	[smem:$0x3FD2] =	sst s25  }
0xa6: {  	s4 =	sshll.u32 s26, $0x1;
	_ =	strace $0x80000049;
	[dreg:$0x1] =	wrdreg $0xFFFFFFFF  }
0xa7: {  	s28 =	simm.s32 $_size_execute0_lowered;
	s2 =	sadd.s32 s2, s4;
	[dreg:$0x0] =	wrdreg $0x0  }
0xa8: {  	s4 =	sshll.u32 s28, $0x1;
	[dreg:$0x2] =	wrdreg s2  }
0xa9: {  	[dreg:$0x3] =	wrdreg s4  }
0xaa: {  	[dreg:$0x4] =	wrdreg $0xC0  }
0xab: {  	_ =	task [dreg:s6], $0x5FFFF  }
0xac: {  	[dreg:$0x1] =	wrdreg $0xFFFFFFFF  }
0xad: {  	[dreg:$0x0] =	wrdreg $0x60  }
0xae: {  	[dreg:$0x2] =	wrdreg s24  }
0xaf: {  	[dreg:$0x3] =	wrdreg $0x41800  }
0xb0: {  	[dreg:$0x4] =	wrdreg $0x9  }
0xb1: {  	_ =	task.clear_ibuf [dreg:s6], $0x5FFFF;
	_ =	strace $0x90000049  }
0xb2: {  	s29 =	simm.s32 $0x9;
	_ =	strace $0x8000004B  }
0xb3: {  	_ =	swait.ge [sflag:s29], $0x1  }
0xb4: {  	[sflag:s29] =	ssyncadd.s32 $0xFFFFFFFF  }
0xb5: {  	_ =	strace $0x9000004B  }
0xb6: {  	_ =	sfence  }
0xb7: {  	s30 =	sld [smem:$0x0];
	_ =	sdelay $0x2  }
0xb8: {  	s31 =	sshll.u32 s1, $0xD;
	s1 =	sshrl.u32 s1, $0x2  }
0xb9: {  	s3 =	sand.u32 $0x4000, s31;
	s1 =	sadd.s32 s1, s30  }
0xba: {  	s0 =	sor.u32 s3, s0;
	s1 =	sshll.u32 s1, $0x11  }
0xbb: {  	s0 =	sor.u32 s1, s0  }
0xbc: {  	s0 =	sadd.s32 $0x8F2B, s0  }
0xbd: {  	[sflag:s0] =	ssyncadd.remote.s32 $0x1  }
0xbe: {  	_ =	sfence.sel $0xFFFF  }
0xbf: {  	[dreg:$0x0] =	wrdreg $0xFFFFFFFF;
	(pc) =	sbr.abs _section_cstart, $3  }
0xc0: {  	[dreg:$0x1] =	wrdreg $0xFFFFFFFF  }
0xc1: {  	_ =	task.clear_ibuf [dreg:s6], $0x2FFFF;
	_ =	strace $0x9FFFFFFF  }
0xc2: {  	(tm) =	ssettm $0x7FFFFFFF  }
0xc3: {  	_ =	shalt  }
tec
execute0_lowered:
.L_overlay_start_1:
0x0: {  	(tag) =	ssettag $0x1  }
0x1: {  	s8 =	rddreg [dreg:$0x0]  }
0x2: {  	s1 =	rddreg [dreg:$0x1]  }
0x3: {  	s2 =	srdreg.scid;
	s0 =	rddreg [dreg:$0x2]  }
0x4: {  	s3 =	simm.s32 $0x0;
	s16 =	simm.s32 $0x180;
	s17 =	simm.s32 $0x1  }
0x5: {  	s18 =	simm.s32 $0x80;
	s9 =	sand.u32 $0x1, s2;
	s2 =	stileid.u32  }
0x6: {  	s19 =	simm.s32 $0x100;
	[smem:$0x7FF] =	sst s3;
	s7 =	smul.u32 $0x13C000, s9  }
0x7: {  	s4 =	sadd.s32 $0x16400, s8;
	s5 =	sadd.s32 $0x65400, s8;
	s10 =	smul.u32 $0x13C00, s2  }
0x8: {  	s6 =	sadd.s32 $0xC600, s8;
	_ =	strace $0x8000004A;
	s11 =	smul.u32 $0x4F000, s2  }
0x9: {  	s12 =	ssub.s32 $0x2, s9;
	s9 =	sshll.u32 s9, $0x4;
	s20 =	sshll.u32 s2, $0x6  }
0xa: {  	s30 =	sshrl.u32 s12, $0x1;
	s13 =	sor.u32 s2, s9;
	s20 =	sor.u32 $0x1C01, s20  }
0xb: {  	s10 =	sadd.s32 s10, s7;
	s7 =	sadd.s32 $0x2800, s8;
	s31 =	sshrl.u32 s11, $0x2  }
0xc: {  	s15 =	ssub.s32 s12, s30;
	s13 =	smul.u32 $0x4F, s13;
	s10 =	sshrl.u32 s10, $0x3  }
0xd: {  	s15 =	smax.u32 s15, $0x1;
	s14 =	sadd.s32 s10, s8;
	s8 =	sadd.s32 s31, s1  }
0xe: {  	s9 =	sadd.s32 $0x4000, s8;
	s10 =	sadd.s32 $0x8000, s8;
	s11 =	sadd.s32 $0xC000, s8  }
0xf: {  	v0 =	vimm.f32 $0.0e+00;
	s12 =	sadd.s32 $0x10000, s8;
	s14 =	sadd.s32 $0x6F200, s14;
	s21 =	sshrl.u32 s8, $0x3  }
.LBB2_1:
0x10: {  	s22 =	simm.s32 $0x0;
	s23 =	simm.s32 $0x200  }
.LBB2_2:
0x11: {  	p0 =	sne.s32 s23, $0xFE00;
	[tilespmem:s22+$0x1F0] =	vst v0  }
0x12: {  	[tilespmem:s22+$0x180] =	vst v0  }
0x13: {  	[tilespmem:s22+$0x190] =	vst v0  }
.Ltmp0:
0x14: {  	[tilespmem:s22+$0x1A0] =	vst v0;
	(pc) =	sbr.rel @p0 .LBB2_2-.Ltmp0, $4  }
0x15: {  	[tilespmem:s22+$0x1B0] =	vst v0  }
0x16: {  	[tilespmem:s22+$0x1C0] =	vst v0  }
0x17: {  	[tilespmem:s22+$0x1D0] =	vst v0  }
0x18: {  	[tilespmem:s22+$0x1E0] =	vst v0;
	s22 =	sshra.s32 s23, $0x2;
	s23 =	sadd.s32 $0x200, s23  }
0x19: {  	[tilespmem:s22+$0x1F0] =	vst v0  }
0x1a: {  	[tilespmem:s22+$0x180] =	vst v0  }
0x1b: {  	[tilespmem:s22+$0x190] =	vst v0  }
0x1c: {  	[tilespmem:s22+$0x1A0] =	vst v0  }
0x1d: {  	[tilespmem:s22+$0x1B0] =	vst v0  }
0x1e: {  	[tilespmem:s22+$0x1C0] =	vst v0  }
0x1f: {  	[tilespmem:s22+$0x1D0] =	vst v0  }
0x20: {  	[tilespmem:s22+$0x1E0] =	vst v0  }
0x21: {  	[spmem:s8] =	stream.linear.scatter [tilespmem:s16], [sflag:$0x1], $0x4000, $0x38;
	[tilespmem:$0x17D80] =	vst v63  }
0x22: {  	_ =	swait.ge [sflag:s17], $0x4000  }
0x23: {  	[sflag:s17] =	ssyncset.done $0x0  }
0x24: {  	[sflag:s17] =	ssyncadd.s32 $0xFFFFC000  }
0x25: {  	[spmem:s9] =	stream.linear.scatter [tilespmem:s16], [sflag:$0x1], $0x4000, $0x38;
	[tilespmem:$0x17D80] =	vst v63  }
0x26: {  	_ =	swait.ge [sflag:s17], $0x4000  }
0x27: {  	[sflag:s17] =	ssyncset.done $0x0  }
0x28: {  	[sflag:s17] =	ssyncadd.s32 $0xFFFFC000  }
0x29: {  	[spmem:s10] =	stream.linear.scatter [tilespmem:s16], [sflag:$0x1], $0x4000, $0x38;
	[tilespmem:$0x17D80] =	vst v63  }
0x2a: {  	_ =	swait.ge [sflag:s17], $0x4000  }
0x2b: {  	[sflag:s17] =	ssyncset.done $0x0  }
0x2c: {  	[sflag:s17] =	ssyncadd.s32 $0xFFFFC000  }
0x2d: {  	[spmem:s11] =	stream.linear.scatter [tilespmem:s16], [sflag:$0x1], $0x4000, $0x38;
	[tilespmem:$0x17D80] =	vst v63  }
0x2e: {  	_ =	swait.ge [sflag:s17], $0x4000  }
0x2f: {  	[sflag:s17] =	ssyncset.done $0x0  }
0x30: {  	[sflag:s17] =	ssyncadd.s32 $0xFFFFC000  }
0x31: {  	[spmem:s12] =	stream.linear.scatter [tilespmem:s16], [sflag:$0x1], $0x3C00, $0x38;
	[tilespmem:$0x17D80] =	vst v63  }
0x32: {  	_ =	swait.ge [sflag:s17], $0x3C00  }
0x33: {  	[sflag:s17] =	ssyncset.done $0x0  }
0x34: {  	[sflag:s17] =	ssyncadd.s32 $0xFFFFC400  }
0x35: {  	s22 =	simm.s32 $0x0;
	s23 =	simm.s32 $0x0;
	[bflag:$0x0] =	sbarrier.arrive $0xFFFF  }
.LBB2_4:
0x36: {  	s24 =	sadd.s32 s13, s23  }
0x37: {  	s24 =	sshll.u32 s24, $0x4  }
0x38: {  	s25 =	sadd.s32 s5, s24  }
0x39: {  	[tilespmem:s22], [sflag:$0x1] =	stream.linear.gather [hbm4b:s25+s22], $0x80, $0x38;
	[tilespmem:$0x17D80] =	vst v63  }
0x3a: {  	_ =	swait.ge [sflag:s17], $0x80  }
0x3b: {  	[sflag:s17] =	ssyncset.done $0x0  }
0x3c: {  	s31 =	sadd.s32 s6, s24;
	[sflag:s17] =	ssyncadd.s32 $0xFFFFFF80  }
0x3d: {  	[tilespmem:s18], [sflag:$0x1] =	stream.linear.gather [hbm4b:s31+s22], $0x80, $0x38;
	[tilespmem:$0x17D80] =	vst v63  }
0x3e: {  	_ =	swait.ge [sflag:s17], $0x80  }
0x3f: {  	[sflag:s17] =	ssyncset.done $0x0  }
0x40: {  	s24 =	sadd.s32 s7, s24;
	[sflag:s17] =	ssyncadd.s32 $0xFFFFFF80  }
0x41: {  	[tilespmem:s19], [sflag:$0x1] =	stream.linear.gather [hbm4b:s24+s22], $0x80, $0x38;
	[tilespmem:$0x17D80] =	vst v63  }
0x42: {  	_ =	swait.ge [sflag:s17], $0x80  }
0x43: {  	[sflag:s17] =	ssyncset.done $0x0  }
0x44: {  	[sflag:s17] =	ssyncadd.s32 $0xFFFFFF80  }
0x45: {  	[tilespmem:s16], [sflag:$0x1] =	stream.indirect.gather [hbm4b:s4+s18], $0x80, s22, s18, $0xb8;
	[tilespmem:$0x17D80] =	vst v63  }
0x46: {  	_ =	swait.ge [sflag:s17], $0x4000  }
0x47: {  	v1 =	vmov s22;
	[sflag:s17] =	ssyncset.done $0x0  }
0x48: {  	s24 =	simm.s32 $0x1C0;
	[sflag:s17] =	ssyncadd.s32 $0xFFFFC000  }
0x49: {  	v5 =	vld [tilespmem:s24+$0x30]  }
0x4a: {  	v8 =	vld [tilespmem:s24+$0x10]  }
0x4b: {  	v6 =	vld [tilespmem:s24+$0xFFFFFFC0]  }
0x4c: {  	v2 =	vld.idx.msk [tilespmem:v1+s19+$0x0], $0xffff  }
0x4d: {  	v10 =	vld [tilespmem:s24+$0xFFFFFFE0]  }
0x4e: {  	v1 =	vld [tilespmem:s24+$0xFFFFFFF0]  }
0x4f: {  	v3 =	vld [tilespmem:s24+$0x20]  }
0x50: {  	v4 =	vld [tilespmem:s24+$0xFFFFFFD0]  }
0x51: {  	v9 =	vmul.f32 v5, v2;
	v5 =	vld [tilespmem:s24+$0x0]  }
0x52: {  	v7 =	vmul.f32 v6, v2  }
0x53: {  	s26 =	simm.s32 $0x1C0;
	s25 =	simm.s32 $0x1;
	v6 =	vmul.f32 v10, v2;
	v8 =	vmul.f32 v8, v2  }
.LBB2_5:
0x54: {  	p0 =	sne.s32 s25, $0x7F  }
0x55: {  	v4 =	vmul.f32 v4, v2;
	v3 =	vmul.f32 v3, v2;
	[tilespmem:s24+$0x30] =	vst v9;
	s26 =	sadd.s32 $0x80, s26;
	s28 =	smov.u32 s25;
	s25 =	sadd.s32 $0x1, s25  }
0x56: {  	[tilespmem:s24+$0xFFFFFFC0] =	vst v7;
	v7 =	vmul.f32 v1, v2;
	v2 =	vmul.f32 v5, v2  }
0x57: {  	[tilespmem:s24+$0x10] =	vst v8  }
0x58: {  	v5 =	vmov s28;
	[tilespmem:s24+$0xFFFFFFE0] =	vst v6  }
0x59: {  	v1 =	vld [tilespmem:s26+$0xFFFFFFF0];
	[tilespmem:s24+$0xFFFFFFF0] =	vst v7  }
0x5a: {  	v6 =	vld [tilespmem:s26+$0x30];
	[tilespmem:s24+$0x0] =	vst v2  }
0x5b: {  	v8 =	vld [tilespmem:s26+$0x10];
	[tilespmem:s24+$0x20] =	vst v3  }
0x5c: {  	v7 =	vld [tilespmem:s26+$0xFFFFFFC0];
	[tilespmem:s24+$0xFFFFFFD0] =	vst v4;
	s24 =	smov.u32 s26  }
0x5d: {  	v2 =	vld.idx.msk [tilespmem:v5+s19+$0x0], $0xffff  }
0x5e: {  	v10 =	vld [tilespmem:s26+$0xFFFFFFE0]  }
0x5f: {  	v3 =	vld [tilespmem:s26+$0x20]  }
.Ltmp1:
0x60: {  	v4 =	vld [tilespmem:s26+$0xFFFFFFD0];
	(pc) =	sbr.rel @p0 .LBB2_5-.Ltmp1, $3  }
0x61: {  	v5 =	vld [tilespmem:s26+$0x0];
	_ =	sdelay $0x1  }
0x62: {  	v7 =	vmul.f32 v7, v2;
	v9 =	vmul.f32 v6, v2  }
0x63: {  	v8 =	vmul.f32 v8, v2;
	v6 =	vmul.f32 v10, v2  }
0x64: {  	[tilespmem:s24+$0x30] =	vst v9  }
0x65: {  	[tilespmem:s24+$0xFFFFFFC0] =	vst v7  }
0x66: {  	v1 =	vmul.f32 v1, v2;
	[tilespmem:s24+$0x10] =	vst v8  }
0x67: {  	v3 =	vmul.f32 v3, v2;
	[tilespmem:s24+$0xFFFFFFE0] =	vst v6  }
0x68: {  	v5 =	vmul.f32 v5, v2;
	[tilespmem:s24+$0xFFFFFFF0] =	vst v1  }
0x69: {  	s23 =	sadd.s32 $0x1, s23;
	v1 =	vmul.f32 v4, v2;
	[tilespmem:s24+$0x20] =	vst v3  }
0x6a: {  	p0 =	sne.s32 s23, $0x4F;
	[tilespmem:s24+$0x0] =	vst v5  }
.Ltmp2:
0x6b: {  	[tilespmem:s24+$0xFFFFFFD0] =	vst v1;
	(pc) =	sbr.rel @p0 .LBB2_4-.Ltmp2, $4  }
0x6c: {  	[spmem:s1] =	stream.indirect.scatter.add.f32 [tilespmem:s16], [sflag:$0x1], $0x80, s18, s18, $0xb8;
	[tilespmem:$0x17D80] =	vst v63  }
0x6d: {  	_ =	swait.ge [sflag:s17], $0x4000  }
0x6e: {  	[sflag:s17] =	ssyncset.done $0x0  }
0x6f: {  	[sflag:s17] =	ssyncadd.s32 $0xFFFFC000  }
0x70: {  	s3 =	sadd.s32 $0x1, s3  }
0x71: {  	p0 =	sne.s32 s3, s15  }
.Ltmp3:
0x72: {  	[bflag:$0x0] =	sbarrier.arrive $0xFFFF;
	(pc) =	sbr.rel @p0 .LBB2_1-.Ltmp3, $4  }
0x73: {  	[hbm:s14], [sflag:s20] =	dma.local [spmem:s21], $0x2780  }
0x74: {  	_ =	swait.ge [sflag:s17], $0x2780  }
0x75: {  	[sflag:s17] =	ssyncset.done $0x0  }
0x76: {  	[sflag:s17] =	ssyncadd.s32 $0xFFFFD880  }
0x77: {  	_ =	sfence.sel $0x180000  }
0x78: {  	[bflag:$0x0] =	sbarrier.arrive $0xFFFF  }
0x79: {  	p0 =	sne.s32 s2, $0x0;
	_ =	strace $0x9000004A  }
0x7a: {  	s0 =	sadd.s32 @!p0 $0x100000, s0;
	[bflag:$0x2] =	sbarrier.arrive $0xFFFF  }
0x7b: {  	[sflag:s0] =	ssyncadd.tile.s32 @!p0 $0x1;
	_ =	shalt  }
.Lfunc_end2:
_tile_overlayer_lowered:
.L_overlay_start_2:
0x7c: {  	(tag) =	ssettag $0x2  }
0x7d: {  	s0 =	rddreg [dreg:$0x0];
	s2 =	stileid.u32  }
0x7e: {  	s1 =	rddreg [dreg:$0x1];
	p0 =	sne.s32 s2, $0x0  }
0x7f: {  	s3 =	rddreg [dreg:$0x2];
	[bflag:$0x3] =	sbarrier.arrive $0xFFFF;
	s2 =	simm.s32 @!p0 $0x1C01  }
0x80: {  	[timem:s3], [sflag:s2] =	dma.local @!p0 [hbm:s0], s1  }
0x81: {  	s0 =	simm.s32 @!p0 $0x1  }
0x82: {  	_ =	swait.ge @!p0 [sflag:s0], s1  }
0x83: {  	s1 =	ssub.s32 @!p0 $0x0, s1;
	[sflag:s0] =	ssyncset.done @!p0 $0x0  }
0x84: {  	[sflag:s0] =	ssyncadd.s32 @!p0 s1  }
0x85: {  	[bflag:$0x3] =	sbarrier.arrive $0xFFFF  }
0x86: {  	_ =	shalt  }

// kernel: kernel.16.cloned.1.call-start
scs
__scs_entry_jumppad:
0x0: {  	(pc) =	sbr.rel $0x88, $3  }
0x1: {  	(tag) =	ssettag $0x0;
	lr =	simm.s32 $0x1  }
0x2: {  	[smem:$0x3F92] =	sst lr;
	_ =	strace $0xD0000000  }
0x3: {  	_ = 	snop  }
0x4: {  	_ = 	snop  }
0x5: {  	_ = 	snop  }
0x6: {  	_ = 	snop  }
0x7: {  	_ = 	snop  }
__scs_overlays_trampoline_lowered:
0x8: {  	[smem:$0x3FA1] =	sst s0  }
0x9: {  	[smem:$0x3FA2] =	sst s1  }
0xa: {  	[smem:$0x3FA3] =	sst s2  }
0xb: {  	[smem:$0x3FA4] =	sst s3  }
0xc: {  	[smem:$0x3FA5] =	sst s4  }
0xd: {  	[smem:$0x3FA6] =	sst s5  }
0xe: {  	[smem:$0x3FA7] =	sst s6  }
0xf: {  	[smem:$0x3FA8] =	sst s7  }
0x10: {  	[smem:$0x3FA9] =	sst s8  }
0x11: {  	[smem:$0x3FAA] =	sst s9;
	s0 =	simm.s32 @!p0 $0x0  }
0x12: {  	s1 =	sld [smem:$0x3F90];
	s0 =	simm.s32 @p0 $0x1  }
0x13: {  	[smem:$0x3FAB] =	sst s0;
	s0 =	simm.s32 @!p1 $0x0  }
0x14: {  	s2 =	sld [smem:$0x3F8F];
	s0 =	simm.s32 @p1 $0x1  }
0x15: {  	[smem:$0x3FAC] =	sst s0;
	s0 =	simm.s32 @!p2 $0x0  }
0x16: {  	s3 =	sld [smem:$0x3FDB];
	s0 =	simm.s32 @p2 $0x1  }
0x17: {  	s4 =	simm.s32 $0x1BF5;
	[smem:$0x3FAE] =	sst s0  }
0x18: {  	s0 =	sld [smem:$0x3F91];
	_ =	swait.ge [sflag:s4], $0x0  }
0x19: {  	s7 =	sld [smem:$0x3F92]  }
0x1a: {  	s8 =	sadd.s32 $0xFFFFE003, lr  }
0x1b: {  	s9 =	sadd.s32 $0xFFFFFEF7, lr;
	s5 =	simm.s32 $0xFFFFFFFF;
	p2 =	slt.u32 s8, $0xFFFFF086  }
0x1c: {  	p1 =	slt.u32 s9, $0xF7A;
	s5 =	simm.s32 @!p2 $0x0  }
0x1d: {  	s5 =	simm.s32 @p1 $0x1;
	p0 =	seq.s32 s7, s2  }
0x1e: {  	s7 =	smul.u32 @!p0 $0xF7A, s2;
	p2 =	seq.s32 @!p0 s5, $0x0  }
0x1f: {  	s9 =	smul.u32 $0xF7A, s1;
	s8 =	simm.s32 @!p0 $0x1BF5;
	p2 =	por !p2, p0  }
0x20: {  	[sflag:s8] =	ssyncset.s32 @!p0 $0xFFFFF086;
	s6 =	sadd.s32 @!p0 s3, s7;
	s7 =	simm.s32 @!p0 $0x108  }
0x21: {  	s3 =	sadd.s32 s3, s9;
	s6 =	sadd.s32 @!p0 $0x88, s6;
	s7 =	simm.s32 @p2 $0x1082  }
0x22: {  	[simem:s7], [sflag:s8] =	dma.local @!p0 [hbm:s6], $0xF7A  }
0x23: {  	s9 =	sor.u32 $0xD0000000, s2;
	s6 =	simm.s32 $0x108;
	_ =	swait.ge @!p0 [sflag:s8], $0x0  }
0x24: {  	s3 =	sadd.s32 $0x88, s3;
	s6 =	simm.s32 @!p1 $0x1082;
	[sflag:s4] =	ssyncset.s32 $0xFFFFF086  }
0x25: {  	[simem:s6], [sflag:s4] =	dma.local [hbm:s3], $0xF7A  }
0x26: {  	[smem:$0x3F92] =	sst s1;
	(tag) =	ssettag s2;
	_ =	strace s9  }
0x27: {  	s1 =	sld [smem:$0x3FA2]  }
0x28: {  	s2 =	sld [smem:$0x3FA3]  }
0x29: {  	s4 =	sld [smem:$0x3FA5]  }
0x2a: {  	p0 =	seq.s32 s5, $0x0;
	s5 =	sld [smem:$0x3FA6]  }
0x2b: {  	s6 =	sld [smem:$0x3FA7]  }
0x2c: {  	s7 =	sld [smem:$0x3FA8]  }
0x2d: {  	s3 =	simm.s32 $0x108;
	s8 =	sld [smem:$0x3FA9]  }
0x2e: {  	s3 =	simm.s32 @!p0 $0x1082;
	s9 =	sld [smem:$0x3FAA]  }
0x2f: {  	lr =	sadd.s32 s0, s3;
	s0 =	sld [smem:$0x3FA1]  }
0x30: {  	s3 =	sld [smem:$0x3FA4]  }
0x31: {  	[smem:$0x3FAD] =	sst s10  }
0x32: {  	s10 =	sld [smem:$0x3FAB];
	_ =	sdelay $0x3  }
0x33: {  	p0 =	seq.s32 s10, $0x1;
	s10 =	sld [smem:$0x3FAD];
	_ =	sdelay $0x3  }
0x34: {  	[smem:$0x3FAD] =	sst s10  }
0x35: {  	s10 =	sld [smem:$0x3FAC];
	_ =	sdelay $0x3  }
0x36: {  	p1 =	seq.s32 s10, $0x1;
	s10 =	sld [smem:$0x3FAD];
	_ =	sdelay $0x3  }
0x37: {  	[smem:$0x3FAD] =	sst s10  }
0x38: {  	s10 =	sld [smem:$0x3FAE]  }
0x39: {  	_ = 	snop;
	(pc) =	sbr.ind lr, $3  }
0x3a: {  	_ = 	snop  }
0x3b: {  	_ = 	snop  }
0x3c: {  	p2 =	seq.s32 s10, $0x1;
	s10 =	sld [smem:$0x3FAD]  }
0x3d: {  	_ =	shalt  }
0x3e: {  	_ =	shalt  }
0x3f: {  	_ =	shalt  }
0x40: {  	_ =	shalt  }
0x41: {  	_ =	shalt  }
0x42: {  	_ =	shalt  }
0x43: {  	_ =	shalt  }
0x44: {  	_ =	shalt  }
0x45: {  	_ =	shalt  }
0x46: {  	_ =	shalt  }
0x47: {  	_ =	shalt  }
0x48: {  	_ =	shalt  }
0x49: {  	_ =	shalt  }
0x4a: {  	_ =	shalt  }
0x4b: {  	_ =	shalt  }
0x4c: {  	_ =	shalt  }
0x4d: {  	_ =	shalt  }
0x4e: {  	_ =	shalt  }
0x4f: {  	_ =	shalt  }
0x50: {  	_ =	shalt  }
0x51: {  	_ =	shalt  }
0x52: {  	_ =	shalt  }
0x53: {  	_ =	shalt  }
0x54: {  	_ =	shalt  }
0x55: {  	_ =	shalt  }
0x56: {  	_ =	shalt  }
0x57: {  	_ =	shalt  }
0x58: {  	_ =	shalt  }
0x59: {  	_ =	shalt  }
0x5a: {  	_ =	shalt  }
0x5b: {  	_ =	shalt  }
0x5c: {  	_ =	shalt  }
0x5d: {  	_ =	shalt  }
0x5e: {  	_ =	shalt  }
0x5f: {  	_ =	shalt  }
0x60: {  	_ =	shalt  }
0x61: {  	_ =	shalt  }
0x62: {  	_ =	shalt  }
0x63: {  	_ =	shalt  }
0x64: {  	_ =	shalt  }
0x65: {  	_ =	shalt  }
0x66: {  	_ =	shalt  }
0x67: {  	_ =	shalt  }
0x68: {  	_ =	shalt  }
0x69: {  	_ =	shalt  }
0x6a: {  	_ =	shalt  }
0x6b: {  	_ =	shalt  }
0x6c: {  	_ =	shalt  }
0x6d: {  	_ =	shalt  }
0x6e: {  	_ =	shalt  }
0x6f: {  	_ =	shalt  }
0x70: {  	_ =	shalt  }
0x71: {  	_ =	shalt  }
0x72: {  	_ =	shalt  }
0x73: {  	_ =	shalt  }
0x74: {  	_ =	shalt  }
0x75: {  	_ =	shalt  }
0x76: {  	_ =	shalt  }
0x77: {  	_ =	shalt  }
0x78: {  	_ =	shalt  }
0x79: {  	_ =	shalt  }
0x7a: {  	_ =	shalt  }
0x7b: {  	_ =	shalt  }
0x7c: {  	_ =	shalt  }
0x7d: {  	_ =	shalt  }
0x7e: {  	_ =	shalt  }
0x7f: {  	_ =	shalt  }
0x80: {  	_ =	shalt  }
0x81: {  	_ =	shalt  }
0x82: {  	_ =	shalt  }
0x83: {  	_ =	shalt  }
0x84: {  	_ =	shalt  }
0x85: {  	_ =	shalt  }
0x86: {  	_ =	shalt  }
0x87: {  	_ =	shalt  }
.Lfunc_end0:
.L_simem_size_0:
called_computation.2_lowered:
.L_overlay_start_0:
0x88: {  	s2 =	sld [smem:$0x3FD9]  }
0x89: {  	s3 =	sld [smem:$0x3FFE];
	_ =	sdelay $0x1  }
0x8a: {  	s1 =	srdreg.scid  }
0x8b: {  	s0 =	sand.u32 $0x1, s1  }
0x8c: {  	s16 =	sshll.u32 s0, $0xA;
	s2 =	sadd.s32 s3, s2  }
0x8d: {  	s2 =	sadd.s32 s2, s16  }
0x8e: {  	[smem:$0x3FB9] =	sst s2  }
0x8f: {  	_ = 	snop  }
0x90: {  	(tm) =	ssettm $0x1  }
0x91: {  	s17 =	sld [smem:$0x3FFB];
	_ =	sdelay $0x3  }
0x92: {  	_ =	strace s17  }
0x93: {  	s2 =	sld [smem:$0x3FFC];
	_ =	sdelay $0x3  }
0x94: {  	_ =	strace s2  }
0x95: {  	s2 =	sld [smem:$0x3FFD];
	_ =	sdelay $0x3  }
0x96: {  	_ =	strace s2  }
0x97: {  	_ =	strace $0x8FFFFFFF  }
0x98: {  	s18 =	sld [smem:$0x3FDB];
	_ =	sdelay $0x1  }
0x99: {  	s19 =	simm.s32 $_scs_section_size  }
0x9a: {  	s4 =	simm.s32 $_size__tile_overlayer_lowered;
	s5 =	simm.s32 $_tile_overlayer_lowered  }
0x9b: {  	s22 =	simm.s32 $0x1BFF;
	s21 =	sshll.u32 s5, $0x1;
	s2 =	sadd.s32 s19, s18  }
0x9c: {  	s6 =	simm.s32 $0x0;
	s20 =	sshll.u32 s4, $0x1;
	s4 =	sadd.s32 s21, s2  }
0x9d: {  	[timem:s6], [sflag:s22] =	dma.local [hbm:s4], s20  }
0x9e: {  	_ =	swait.ge [sflag:s22], s20  }
0x9f: {  	s3 =	ssub.s32 $0x0, s20;
	[sflag:s22] =	ssyncset.done $0x0  }
0xa0: {  	[sflag:s22] =	ssyncadd.s32 s3;
	_ =	sdelay $0x1  }
0xa1: {  	s23 =	simm.s32 $0x1B8B  }
0xa2: {  	_ =	swait.ge [sflag:s23], $0x1  }
0xa3: {  	[sflag:s23] =	ssyncset.done $0x0  }
0xa4: {  	s25 =	simm.s32 $0x1B8E;
	s24 =	sld [smem:$0x3FFE];
	[sflag:s23] =	ssyncadd.s32 $0xFFFFFFFF  }
0xa5: {  	s26 =	simm.s32 $execute0_lowered;
	[smem:$0x3FD2] =	sst s25  }
0xa6: {  	s4 =	sshll.u32 s26, $0x1;
	_ =	strace $0x8000004C;
	[dreg:$0x1] =	wrdreg $0xFFFFFFFF  }
0xa7: {  	s28 =	simm.s32 $_size_execute0_lowered;
	s2 =	sadd.s32 s2, s4;
	[dreg:$0x0] =	wrdreg $0x0  }
0xa8: {  	s4 =	sshll.u32 s28, $0x1;
	[dreg:$0x2] =	wrdreg s2  }
0xa9: {  	[dreg:$0x3] =	wrdreg s4  }
0xaa: {  	[dreg:$0x4] =	wrdreg $0xC0  }
0xab: {  	_ =	task [dreg:s6], $0x5FFFF  }
0xac: {  	[dreg:$0x1] =	wrdreg $0xFFFFFFFF  }
0xad: {  	[dreg:$0x0] =	wrdreg $0x60  }
0xae: {  	[dreg:$0x2] =	wrdreg s24  }
0xaf: {  	[dreg:$0x3] =	wrdreg $0x41800  }
0xb0: {  	[dreg:$0x4] =	wrdreg $0x9  }
0xb1: {  	_ =	task.clear_ibuf [dreg:s6], $0x5FFFF;
	_ =	strace $0x9000004C  }
0xb2: {  	s29 =	simm.s32 $0x9;
	_ =	strace $0x8000004E  }
0xb3: {  	_ =	swait.ge [sflag:s29], $0x1  }
0xb4: {  	[sflag:s29] =	ssyncadd.s32 $0xFFFFFFFF  }
0xb5: {  	_ =	strace $0x9000004E  }
0xb6: {  	_ =	sfence  }
0xb7: {  	s30 =	sld [smem:$0x0];
	_ =	sdelay $0x2  }
0xb8: {  	s31 =	sshll.u32 s1, $0xD;
	s1 =	sshrl.u32 s1, $0x2  }
0xb9: {  	s3 =	sand.u32 $0x4000, s31;
	s1 =	sadd.s32 s1, s30  }
0xba: {  	s0 =	sor.u32 s3, s0;
	s1 =	sshll.u32 s1, $0x11  }
0xbb: {  	s0 =	sor.u32 s1, s0  }
0xbc: {  	s0 =	sadd.s32 $0x8F2B, s0  }
0xbd: {  	[sflag:s0] =	ssyncadd.remote.s32 $0x1  }
0xbe: {  	_ =	sfence.sel $0xFFFF  }
0xbf: {  	[dreg:$0x0] =	wrdreg $0xFFFFFFFF;
	(pc) =	sbr.abs _section_cstart, $3  }
0xc0: {  	[dreg:$0x1] =	wrdreg $0xFFFFFFFF  }
0xc1: {  	_ =	task.clear_ibuf [dreg:s6], $0x2FFFF;
	_ =	strace $0x9FFFFFFF  }
0xc2: {  	(tm) =	ssettm $0x7FFFFFFF  }
0xc3: {  	_ =	shalt  }
tec
execute0_lowered:
.L_overlay_start_1:
0x0: {  	(tag) =	ssettag $0x1  }
0x1: {  	s8 =	rddreg [dreg:$0x0]  }
0x2: {  	s1 =	rddreg [dreg:$0x1]  }
0x3: {  	s2 =	srdreg.scid;
	s0 =	rddreg [dreg:$0x2]  }
0x4: {  	s3 =	simm.s32 $0x0;
	s16 =	simm.s32 $0x180;
	s17 =	simm.s32 $0x1  }
0x5: {  	s18 =	simm.s32 $0x80;
	s9 =	sand.u32 $0x1, s2;
	s2 =	stileid.u32  }
0x6: {  	s19 =	simm.s32 $0x100;
	[smem:$0x7FF] =	sst s3;
	s7 =	smul.u32 $0x13C000, s9  }
0x7: {  	s4 =	sadd.s32 $0x16400, s8;
	s5 =	sadd.s32 $0x65400, s8;
	s10 =	smul.u32 $0x13C00, s2  }
0x8: {  	s6 =	sadd.s32 $0xC600, s8;
	_ =	strace $0x8000004D;
	s11 =	smul.u32 $0x4F000, s2  }
0x9: {  	s12 =	ssub.s32 $0x2, s9;
	s9 =	sshll.u32 s9, $0x4;
	s20 =	sshll.u32 s2, $0x6  }
0xa: {  	s30 =	sshrl.u32 s12, $0x1;
	s13 =	sor.u32 s2, s9;
	s20 =	sor.u32 $0x1C01, s20  }
0xb: {  	s10 =	sadd.s32 s10, s7;
	s7 =	sadd.s32 $0x2800, s8;
	s31 =	sshrl.u32 s11, $0x2  }
0xc: {  	s15 =	ssub.s32 s12, s30;
	s13 =	smul.u32 $0x4F, s13;
	s10 =	sshrl.u32 s10, $0x3  }
0xd: {  	s15 =	smax.u32 s15, $0x1;
	s14 =	sadd.s32 s10, s8;
	s8 =	sadd.s32 s31, s1  }
0xe: {  	s9 =	sadd.s32 $0x4000, s8;
	s10 =	sadd.s32 $0x8000, s8;
	s11 =	sadd.s32 $0xC000, s8  }
0xf: {  	v0 =	vimm.f32 $0.0e+00;
	s12 =	sadd.s32 $0x10000, s8;
	s14 =	sadd.s32 $0x6F200, s14;
	s21 =	sshrl.u32 s8, $0x3  }
.LBB2_1:
0x10: {  	s22 =	simm.s32 $0x0;
	s23 =	simm.s32 $0x200  }
.LBB2_2:
0x11: {  	p0 =	sne.s32 s23, $0xFE00;
	[tilespmem:s22+$0x1F0] =	vst v0  }
0x12: {  	[tilespmem:s22+$0x180] =	vst v0  }
0x13: {  	[tilespmem:s22+$0x190] =	vst v0  }
.Ltmp0:
0x14: {  	[tilespmem:s22+$0x1A0] =	vst v0;
	(pc) =	sbr.rel @p0 .LBB2_2-.Ltmp0, $4  }
0x15: {  	[tilespmem:s22+$0x1B0] =	vst v0  }
0x16: {  	[tilespmem:s22+$0x1C0] =	vst v0  }
0x17: {  	[tilespmem:s22+$0x1D0] =	vst v0  }
0x18: {  	[tilespmem:s22+$0x1E0] =	vst v0;
	s22 =	sshra.s32 s23, $0x2;
	s23 =	sadd.s32 $0x200, s23  }
0x19: {  	[tilespmem:s22+$0x1F0] =	vst v0  }
0x1a: {  	[tilespmem:s22+$0x180] =	vst v0  }
0x1b: {  	[tilespmem:s22+$0x190] =	vst v0  }
0x1c: {  	[tilespmem:s22+$0x1A0] =	vst v0  }
0x1d: {  	[tilespmem:s22+$0x1B0] =	vst v0  }
0x1e: {  	[tilespmem:s22+$0x1C0] =	vst v0  }
0x1f: {  	[tilespmem:s22+$0x1D0] =	vst v0  }
0x20: {  	[tilespmem:s22+$0x1E0] =	vst v0  }
0x21: {  	[spmem:s8] =	stream.linear.scatter [tilespmem:s16], [sflag:$0x1], $0x4000, $0x38;
	[tilespmem:$0x17D80] =	vst v63  }
0x22: {  	_ =	swait.ge [sflag:s17], $0x4000  }
0x23: {  	[sflag:s17] =	ssyncset.done $0x0  }
0x24: {  	[sflag:s17] =	ssyncadd.s32 $0xFFFFC000  }
0x25: {  	[spmem:s9] =	stream.linear.scatter [tilespmem:s16], [sflag:$0x1], $0x4000, $0x38;
	[tilespmem:$0x17D80] =	vst v63  }
0x26: {  	_ =	swait.ge [sflag:s17], $0x4000  }
0x27: {  	[sflag:s17] =	ssyncset.done $0x0  }
0x28: {  	[sflag:s17] =	ssyncadd.s32 $0xFFFFC000  }
0x29: {  	[spmem:s10] =	stream.linear.scatter [tilespmem:s16], [sflag:$0x1], $0x4000, $0x38;
	[tilespmem:$0x17D80] =	vst v63  }
0x2a: {  	_ =	swait.ge [sflag:s17], $0x4000  }
0x2b: {  	[sflag:s17] =	ssyncset.done $0x0  }
0x2c: {  	[sflag:s17] =	ssyncadd.s32 $0xFFFFC000  }
0x2d: {  	[spmem:s11] =	stream.linear.scatter [tilespmem:s16], [sflag:$0x1], $0x4000, $0x38;
	[tilespmem:$0x17D80] =	vst v63  }
0x2e: {  	_ =	swait.ge [sflag:s17], $0x4000  }
0x2f: {  	[sflag:s17] =	ssyncset.done $0x0  }
0x30: {  	[sflag:s17] =	ssyncadd.s32 $0xFFFFC000  }
0x31: {  	[spmem:s12] =	stream.linear.scatter [tilespmem:s16], [sflag:$0x1], $0x3C00, $0x38;
	[tilespmem:$0x17D80] =	vst v63  }
0x32: {  	_ =	swait.ge [sflag:s17], $0x3C00  }
0x33: {  	[sflag:s17] =	ssyncset.done $0x0  }
0x34: {  	[sflag:s17] =	ssyncadd.s32 $0xFFFFC400  }
0x35: {  	s22 =	simm.s32 $0x0;
	s23 =	simm.s32 $0x0;
	[bflag:$0x0] =	sbarrier.arrive $0xFFFF  }
.LBB2_4:
0x36: {  	s24 =	sadd.s32 s13, s23  }
0x37: {  	s24 =	sshll.u32 s24, $0x4  }
0x38: {  	s25 =	sadd.s32 s5, s24  }
0x39: {  	[tilespmem:s22], [sflag:$0x1] =	stream.linear.gather [hbm4b:s25+s22], $0x80, $0x38;
	[tilespmem:$0x17D80] =	vst v63  }
0x3a: {  	_ =	swait.ge [sflag:s17], $0x80  }
0x3b: {  	[sflag:s17] =	ssyncset.done $0x0  }
0x3c: {  	s31 =	sadd.s32 s6, s24;
	[sflag:s17] =	ssyncadd.s32 $0xFFFFFF80  }
0x3d: {  	[tilespmem:s18], [sflag:$0x1] =	stream.linear.gather [hbm4b:s31+s22], $0x80, $0x38;
	[tilespmem:$0x17D80] =	vst v63  }
0x3e: {  	_ =	swait.ge [sflag:s17], $0x80  }
0x3f: {  	[sflag:s17] =	ssyncset.done $0x0  }
0x40: {  	s24 =	sadd.s32 s7, s24;
	[sflag:s17] =	ssyncadd.s32 $0xFFFFFF80  }
0x41: {  	[tilespmem:s19], [sflag:$0x1] =	stream.linear.gather [hbm4b:s24+s22], $0x80, $0x38;
	[tilespmem:$0x17D80] =	vst v63  }
0x42: {  	_ =	swait.ge [sflag:s17], $0x80  }
0x43: {  	[sflag:s17] =	ssyncset.done $0x0  }
0x44: {  	[sflag:s17] =	ssyncadd.s32 $0xFFFFFF80  }
0x45: {  	[tilespmem:s16], [sflag:$0x1] =	stream.indirect.gather [hbm4b:s4+s18], $0x80, s22, s18, $0xb8;
	[tilespmem:$0x17D80] =	vst v63  }
0x46: {  	_ =	swait.ge [sflag:s17], $0x4000  }
0x47: {  	v1 =	vmov s22;
	[sflag:s17] =	ssyncset.done $0x0  }
0x48: {  	s24 =	simm.s32 $0x1C0;
	[sflag:s17] =	ssyncadd.s32 $0xFFFFC000  }
0x49: {  	v5 =	vld [tilespmem:s24+$0x30]  }
0x4a: {  	v8 =	vld [tilespmem:s24+$0x10]  }
0x4b: {  	v6 =	vld [tilespmem:s24+$0xFFFFFFC0]  }
0x4c: {  	v2 =	vld.idx.msk [tilespmem:v1+s19+$0x0], $0xffff  }
0x4d: {  	v10 =	vld [tilespmem:s24+$0xFFFFFFE0]  }
0x4e: {  	v1 =	vld [tilespmem:s24+$0xFFFFFFF0]  }
0x4f: {  	v3 =	vld [tilespmem:s24+$0x20]  }
0x50: {  	v4 =	vld [tilespmem:s24+$0xFFFFFFD0]  }
0x51: {  	v9 =	vmul.f32 v5, v2;
	v5 =	vld [tilespmem:s24+$0x0]  }
0x52: {  	v7 =	vmul.f32 v6, v2  }
0x53: {  	s26 =	simm.s32 $0x1C0;
	s25 =	simm.s32 $0x1;
	v6 =	vmul.f32 v10, v2;
	v8 =	vmul.f32 v8, v2  }
.LBB2_5:
0x54: {  	p0 =	sne.s32 s25, $0x7F  }
0x55: {  	v4 =	vmul.f32 v4, v2;
	v3 =	vmul.f32 v3, v2;
	[tilespmem:s24+$0x30] =	vst v9;
	s26 =	sadd.s32 $0x80, s26;
	s28 =	smov.u32 s25;
	s25 =	sadd.s32 $0x1, s25  }
0x56: {  	[tilespmem:s24+$0xFFFFFFC0] =	vst v7;
	v7 =	vmul.f32 v1, v2;
	v2 =	vmul.f32 v5, v2  }
0x57: {  	[tilespmem:s24+$0x10] =	vst v8  }
0x58: {  	v5 =	vmov s28;
	[tilespmem:s24+$0xFFFFFFE0] =	vst v6  }
0x59: {  	v1 =	vld [tilespmem:s26+$0xFFFFFFF0];
	[tilespmem:s24+$0xFFFFFFF0] =	vst v7  }
0x5a: {  	v6 =	vld [tilespmem:s26+$0x30];
	[tilespmem:s24+$0x0] =	vst v2  }
0x5b: {  	v8 =	vld [tilespmem:s26+$0x10];
	[tilespmem:s24+$0x20] =	vst v3  }
0x5c: {  	v7 =	vld [tilespmem:s26+$0xFFFFFFC0];
	[tilespmem:s24+$0xFFFFFFD0] =	vst v4;
	s24 =	smov.u32 s26  }
0x5d: {  	v2 =	vld.idx.msk [tilespmem:v5+s19+$0x0], $0xffff  }
0x5e: {  	v10 =	vld [tilespmem:s26+$0xFFFFFFE0]  }
0x5f: {  	v3 =	vld [tilespmem:s26+$0x20]  }
.Ltmp1:
0x60: {  	v4 =	vld [tilespmem:s26+$0xFFFFFFD0];
	(pc) =	sbr.rel @p0 .LBB2_5-.Ltmp1, $3  }
0x61: {  	v5 =	vld [tilespmem:s26+$0x0];
	_ =	sdelay $0x1  }
0x62: {  	v7 =	vmul.f32 v7, v2;
	v9 =	vmul.f32 v6, v2  }
0x63: {  	v8 =	vmul.f32 v8, v2;
	v6 =	vmul.f32 v10, v2  }
0x64: {  	[tilespmem:s24+$0x30] =	vst v9  }
0x65: {  	[tilespmem:s24+$0xFFFFFFC0] =	vst v7  }
0x66: {  	v1 =	vmul.f32 v1, v2;
	[tilespmem:s24+$0x10] =	vst v8  }
0x67: {  	v3 =	vmul.f32 v3, v2;
	[tilespmem:s24+$0xFFFFFFE0] =	vst v6  }
0x68: {  	v5 =	vmul.f32 v5, v2;
	[tilespmem:s24+$0xFFFFFFF0] =	vst v1  }
0x69: {  	s23 =	sadd.s32 $0x1, s23;
	v1 =	vmul.f32 v4, v2;
	[tilespmem:s24+$0x20] =	vst v3  }
0x6a: {  	p0 =	sne.s32 s23, $0x4F;
	[tilespmem:s24+$0x0] =	vst v5  }
.Ltmp2:
0x6b: {  	[tilespmem:s24+$0xFFFFFFD0] =	vst v1;
	(pc) =	sbr.rel @p0 .LBB2_4-.Ltmp2, $4  }
0x6c: {  	[spmem:s1] =	stream.indirect.scatter.add.f32 [tilespmem:s16], [sflag:$0x1], $0x80, s18, s18, $0xb8;
	[tilespmem:$0x17D80] =	vst v63  }
0x6d: {  	_ =	swait.ge [sflag:s17], $0x4000  }
0x6e: {  	[sflag:s17] =	ssyncset.done $0x0  }
0x6f: {  	[sflag:s17] =	ssyncadd.s32 $0xFFFFC000  }
0x70: {  	s3 =	sadd.s32 $0x1, s3  }
0x71: {  	p0 =	sne.s32 s3, s15  }
.Ltmp3:
0x72: {  	[bflag:$0x0] =	sbarrier.arrive $0xFFFF;
	(pc) =	sbr.rel @p0 .LBB2_1-.Ltmp3, $4  }
0x73: {  	[hbm:s14], [sflag:s20] =	dma.local [spmem:s21], $0x2780  }
0x74: {  	_ =	swait.ge [sflag:s17], $0x2780  }
0x75: {  	[sflag:s17] =	ssyncset.done $0x0  }
0x76: {  	[sflag:s17] =	ssyncadd.s32 $0xFFFFD880  }
0x77: {  	_ =	sfence.sel $0x180000  }
0x78: {  	[bflag:$0x0] =	sbarrier.arrive $0xFFFF  }
0x79: {  	p0 =	sne.s32 s2, $0x0;
	_ =	strace $0x9000004D  }
0x7a: {  	s0 =	sadd.s32 @!p0 $0x100000, s0;
	[bflag:$0x2] =	sbarrier.arrive $0xFFFF  }
0x7b: {  	[sflag:s0] =	ssyncadd.tile.s32 @!p0 $0x1;
	_ =	shalt  }
.Lfunc_end2:
_tile_overlayer_lowered:
.L_overlay_start_2:
0x7c: {  	(tag) =	ssettag $0x2  }
0x7d: {  	s0 =	rddreg [dreg:$0x0];
	s2 =	stileid.u32  }
0x7e: {  	s1 =	rddreg [dreg:$0x1];
	p0 =	sne.s32 s2, $0x0  }
0x7f: {  	s3 =	rddreg [dreg:$0x2];
	[bflag:$0x3] =	sbarrier.arrive $0xFFFF;
	s2 =	simm.s32 @!p0 $0x1C01  }
0x80: {  	[timem:s3], [sflag:s2] =	dma.local @!p0 [hbm:s0], s1  }
0x81: {  	s0 =	simm.s32 @!p0 $0x1  }
0x82: {  	_ =	swait.ge @!p0 [sflag:s0], s1  }
0x83: {  	s1 =	ssub.s32 @!p0 $0x0, s1;
	[sflag:s0] =	ssyncset.done @!p0 $0x0  }
0x84: {  	[sflag:s0] =	ssyncadd.s32 @!p0 s1  }
0x85: {  	[bflag:$0x3] =	sbarrier.arrive $0xFFFF  }
0x86: {  	_ =	shalt  }

// kernel: kernel.19.cloned.1.call-start
scs
__scs_entry_jumppad:
0x0: {  	(pc) =	sbr.rel $0x88, $3  }
0x1: {  	(tag) =	ssettag $0x0;
	lr =	simm.s32 $0x1  }
0x2: {  	[smem:$0x3F92] =	sst lr;
	_ =	strace $0xD0000000  }
0x3: {  	_ = 	snop  }
0x4: {  	_ = 	snop  }
0x5: {  	_ = 	snop  }
0x6: {  	_ = 	snop  }
0x7: {  	_ = 	snop  }
__scs_overlays_trampoline_lowered:
0x8: {  	[smem:$0x3FA1] =	sst s0  }
0x9: {  	[smem:$0x3FA2] =	sst s1  }
0xa: {  	[smem:$0x3FA3] =	sst s2  }
0xb: {  	[smem:$0x3FA4] =	sst s3  }
0xc: {  	[smem:$0x3FA5] =	sst s4  }
0xd: {  	[smem:$0x3FA6] =	sst s5  }
0xe: {  	[smem:$0x3FA7] =	sst s6  }
0xf: {  	[smem:$0x3FA8] =	sst s7  }
0x10: {  	[smem:$0x3FA9] =	sst s8  }
0x11: {  	[smem:$0x3FAA] =	sst s9;
	s0 =	simm.s32 @!p0 $0x0  }
0x12: {  	s1 =	sld [smem:$0x3F90];
	s0 =	simm.s32 @p0 $0x1  }
0x13: {  	[smem:$0x3FAB] =	sst s0;
	s0 =	simm.s32 @!p1 $0x0  }
0x14: {  	s2 =	sld [smem:$0x3F8F];
	s0 =	simm.s32 @p1 $0x1  }
0x15: {  	[smem:$0x3FAC] =	sst s0;
	s0 =	simm.s32 @!p2 $0x0  }
0x16: {  	s3 =	sld [smem:$0x3FDB];
	s0 =	simm.s32 @p2 $0x1  }
0x17: {  	s4 =	simm.s32 $0x1BF5;
	[smem:$0x3FAE] =	sst s0  }
0x18: {  	s0 =	sld [smem:$0x3F91];
	_ =	swait.ge [sflag:s4], $0x0  }
0x19: {  	s7 =	sld [smem:$0x3F92]  }
0x1a: {  	s8 =	sadd.s32 $0xFFFFE003, lr  }
0x1b: {  	s9 =	sadd.s32 $0xFFFFFEF7, lr;
	s5 =	simm.s32 $0xFFFFFFFF;
	p2 =	slt.u32 s8, $0xFFFFF086  }
0x1c: {  	p1 =	slt.u32 s9, $0xF7A;
	s5 =	simm.s32 @!p2 $0x0  }
0x1d: {  	s5 =	simm.s32 @p1 $0x1;
	p0 =	seq.s32 s7, s2  }
0x1e: {  	s7 =	smul.u32 @!p0 $0xF7A, s2;
	p2 =	seq.s32 @!p0 s5, $0x0  }
0x1f: {  	s9 =	smul.u32 $0xF7A, s1;
	s8 =	simm.s32 @!p0 $0x1BF5;
	p2 =	por !p2, p0  }
0x20: {  	[sflag:s8] =	ssyncset.s32 @!p0 $0xFFFFF086;
	s6 =	sadd.s32 @!p0 s3, s7;
	s7 =	simm.s32 @!p0 $0x108  }
0x21: {  	s3 =	sadd.s32 s3, s9;
	s6 =	sadd.s32 @!p0 $0x88, s6;
	s7 =	simm.s32 @p2 $0x1082  }
0x22: {  	[simem:s7], [sflag:s8] =	dma.local @!p0 [hbm:s6], $0xF7A  }
0x23: {  	s9 =	sor.u32 $0xD0000000, s2;
	s6 =	simm.s32 $0x108;
	_ =	swait.ge @!p0 [sflag:s8], $0x0  }
0x24: {  	s3 =	sadd.s32 $0x88, s3;
	s6 =	simm.s32 @!p1 $0x1082;
	[sflag:s4] =	ssyncset.s32 $0xFFFFF086  }
0x25: {  	[simem:s6], [sflag:s4] =	dma.local [hbm:s3], $0xF7A  }
0x26: {  	[smem:$0x3F92] =	sst s1;
	(tag) =	ssettag s2;
	_ =	strace s9  }
0x27: {  	s1 =	sld [smem:$0x3FA2]  }
0x28: {  	s2 =	sld [smem:$0x3FA3]  }
0x29: {  	s4 =	sld [smem:$0x3FA5]  }
0x2a: {  	p0 =	seq.s32 s5, $0x0;
	s5 =	sld [smem:$0x3FA6]  }
0x2b: {  	s6 =	sld [smem:$0x3FA7]  }
0x2c: {  	s7 =	sld [smem:$0x3FA8]  }
0x2d: {  	s3 =	simm.s32 $0x108;
	s8 =	sld [smem:$0x3FA9]  }
0x2e: {  	s3 =	simm.s32 @!p0 $0x1082;
	s9 =	sld [smem:$0x3FAA]  }
0x2f: {  	lr =	sadd.s32 s0, s3;
	s0 =	sld [smem:$0x3FA1]  }
0x30: {  	s3 =	sld [smem:$0x3FA4]  }
0x31: {  	[smem:$0x3FAD] =	sst s10  }
0x32: {  	s10 =	sld [smem:$0x3FAB];
	_ =	sdelay $0x3  }
0x33: {  	p0 =	seq.s32 s10, $0x1;
	s10 =	sld [smem:$0x3FAD];
	_ =	sdelay $0x3  }
0x34: {  	[smem:$0x3FAD] =	sst s10  }
0x35: {  	s10 =	sld [smem:$0x3FAC];
	_ =	sdelay $0x3  }
0x36: {  	p1 =	seq.s32 s10, $0x1;
	s10 =	sld [smem:$0x3FAD];
	_ =	sdelay $0x3  }
0x37: {  	[smem:$0x3FAD] =	sst s10  }
0x38: {  	s10 =	sld [smem:$0x3FAE]  }
0x39: {  	_ = 	snop;
	(pc) =	sbr.ind lr, $3  }
0x3a: {  	_ = 	snop  }
0x3b: {  	_ = 	snop  }
0x3c: {  	p2 =	seq.s32 s10, $0x1;
	s10 =	sld [smem:$0x3FAD]  }
0x3d: {  	_ =	shalt  }
0x3e: {  	_ =	shalt  }
0x3f: {  	_ =	shalt  }
0x40: {  	_ =	shalt  }
0x41: {  	_ =	shalt  }
0x42: {  	_ =	shalt  }
0x43: {  	_ =	shalt  }
0x44: {  	_ =	shalt  }
0x45: {  	_ =	shalt  }
0x46: {  	_ =	shalt  }
0x47: {  	_ =	shalt  }
0x48: {  	_ =	shalt  }
0x49: {  	_ =	shalt  }
0x4a: {  	_ =	shalt  }
0x4b: {  	_ =	shalt  }
0x4c: {  	_ =	shalt  }
0x4d: {  	_ =	shalt  }
0x4e: {  	_ =	shalt  }
0x4f: {  	_ =	shalt  }
0x50: {  	_ =	shalt  }
0x51: {  	_ =	shalt  }
0x52: {  	_ =	shalt  }
0x53: {  	_ =	shalt  }
0x54: {  	_ =	shalt  }
0x55: {  	_ =	shalt  }
0x56: {  	_ =	shalt  }
0x57: {  	_ =	shalt  }
0x58: {  	_ =	shalt  }
0x59: {  	_ =	shalt  }
0x5a: {  	_ =	shalt  }
0x5b: {  	_ =	shalt  }
0x5c: {  	_ =	shalt  }
0x5d: {  	_ =	shalt  }
0x5e: {  	_ =	shalt  }
0x5f: {  	_ =	shalt  }
0x60: {  	_ =	shalt  }
0x61: {  	_ =	shalt  }
0x62: {  	_ =	shalt  }
0x63: {  	_ =	shalt  }
0x64: {  	_ =	shalt  }
0x65: {  	_ =	shalt  }
0x66: {  	_ =	shalt  }
0x67: {  	_ =	shalt  }
0x68: {  	_ =	shalt  }
0x69: {  	_ =	shalt  }
0x6a: {  	_ =	shalt  }
0x6b: {  	_ =	shalt  }
0x6c: {  	_ =	shalt  }
0x6d: {  	_ =	shalt  }
0x6e: {  	_ =	shalt  }
0x6f: {  	_ =	shalt  }
0x70: {  	_ =	shalt  }
0x71: {  	_ =	shalt  }
0x72: {  	_ =	shalt  }
0x73: {  	_ =	shalt  }
0x74: {  	_ =	shalt  }
0x75: {  	_ =	shalt  }
0x76: {  	_ =	shalt  }
0x77: {  	_ =	shalt  }
0x78: {  	_ =	shalt  }
0x79: {  	_ =	shalt  }
0x7a: {  	_ =	shalt  }
0x7b: {  	_ =	shalt  }
0x7c: {  	_ =	shalt  }
0x7d: {  	_ =	shalt  }
0x7e: {  	_ =	shalt  }
0x7f: {  	_ =	shalt  }
0x80: {  	_ =	shalt  }
0x81: {  	_ =	shalt  }
0x82: {  	_ =	shalt  }
0x83: {  	_ =	shalt  }
0x84: {  	_ =	shalt  }
0x85: {  	_ =	shalt  }
0x86: {  	_ =	shalt  }
0x87: {  	_ =	shalt  }
.Lfunc_end0:
.L_simem_size_0:
called_computation.3_lowered:
.L_overlay_start_0:
0x88: {  	s2 =	sld [smem:$0x3FD9]  }
0x89: {  	s3 =	sld [smem:$0x3FFE];
	_ =	sdelay $0x1  }
0x8a: {  	s1 =	srdreg.scid  }
0x8b: {  	s0 =	sand.u32 $0x1, s1  }
0x8c: {  	s16 =	sshll.u32 s0, $0xA;
	s2 =	sadd.s32 s3, s2  }
0x8d: {  	s2 =	sadd.s32 s2, s16  }
0x8e: {  	[smem:$0x3FB9] =	sst s2  }
0x8f: {  	_ = 	snop  }
0x90: {  	(tm) =	ssettm $0x1  }
0x91: {  	s17 =	sld [smem:$0x3FFB];
	_ =	sdelay $0x3  }
0x92: {  	_ =	strace s17  }
0x93: {  	s2 =	sld [smem:$0x3FFC];
	_ =	sdelay $0x3  }
0x94: {  	_ =	strace s2  }
0x95: {  	s2 =	sld [smem:$0x3FFD];
	_ =	sdelay $0x3  }
0x96: {  	_ =	strace s2  }
0x97: {  	_ =	strace $0x8FFFFFFF  }
0x98: {  	s18 =	sld [smem:$0x3FDB];
	_ =	sdelay $0x1  }
0x99: {  	s19 =	simm.s32 $_scs_section_size  }
0x9a: {  	s4 =	simm.s32 $_size__tile_overlayer_lowered;
	s5 =	simm.s32 $_tile_overlayer_lowered  }
0x9b: {  	s22 =	simm.s32 $0x1BFF;
	s21 =	sshll.u32 s5, $0x1;
	s2 =	sadd.s32 s19, s18  }
0x9c: {  	s6 =	simm.s32 $0x0;
	s20 =	sshll.u32 s4, $0x1;
	s4 =	sadd.s32 s21, s2  }
0x9d: {  	[timem:s6], [sflag:s22] =	dma.local [hbm:s4], s20  }
0x9e: {  	_ =	swait.ge [sflag:s22], s20  }
0x9f: {  	s3 =	ssub.s32 $0x0, s20;
	[sflag:s22] =	ssyncset.done $0x0  }
0xa0: {  	[sflag:s22] =	ssyncadd.s32 s3;
	_ =	sdelay $0x1  }
0xa1: {  	s23 =	simm.s32 $0x1B8B  }
0xa2: {  	_ =	swait.ge [sflag:s23], $0x1  }
0xa3: {  	[sflag:s23] =	ssyncset.done $0x0  }
0xa4: {  	s25 =	simm.s32 $0x1B8E;
	s24 =	sld [smem:$0x3FFE];
	[sflag:s23] =	ssyncadd.s32 $0xFFFFFFFF  }
0xa5: {  	s26 =	simm.s32 $execute0_lowered;
	[smem:$0x3FD2] =	sst s25  }
0xa6: {  	s4 =	sshll.u32 s26, $0x1;
	_ =	strace $0x8000004F;
	[dreg:$0x1] =	wrdreg $0xFFFFFFFF  }
0xa7: {  	s28 =	simm.s32 $_size_execute0_lowered;
	s2 =	sadd.s32 s2, s4;
	[dreg:$0x0] =	wrdreg $0x0  }
0xa8: {  	s4 =	sshll.u32 s28, $0x1;
	[dreg:$0x2] =	wrdreg s2  }
0xa9: {  	[dreg:$0x3] =	wrdreg s4  }
0xaa: {  	[dreg:$0x4] =	wrdreg $0xC0  }
0xab: {  	_ =	task [dreg:s6], $0x5FFFF  }
0xac: {  	[dreg:$0x1] =	wrdreg $0xFFFFFFFF  }
0xad: {  	[dreg:$0x0] =	wrdreg $0x60  }
0xae: {  	[dreg:$0x2] =	wrdreg s24  }
0xaf: {  	[dreg:$0x3] =	wrdreg $0x9  }
0xb0: {  	_ =	task.clear_ibuf [dreg:s6], $0x4FFFF;
	_ =	strace $0x9000004F  }
0xb1: {  	s29 =	simm.s32 $0x9;
	_ =	strace $0x80000051  }
0xb2: {  	_ =	swait.ge [sflag:s29], $0x1  }
0xb3: {  	[sflag:s29] =	ssyncadd.s32 $0xFFFFFFFF  }
0xb4: {  	_ =	strace $0x90000051  }
0xb5: {  	_ =	sfence  }
0xb6: {  	s30 =	sld [smem:$0x0];
	_ =	sdelay $0x2  }
0xb7: {  	s31 =	sshll.u32 s1, $0xD;
	s1 =	sshrl.u32 s1, $0x2  }
0xb8: {  	s3 =	sand.u32 $0x4000, s31;
	s1 =	sadd.s32 s1, s30  }
0xb9: {  	s0 =	sor.u32 s3, s0;
	s1 =	sshll.u32 s1, $0x11  }
0xba: {  	s0 =	sor.u32 s1, s0  }
0xbb: {  	s0 =	sadd.s32 $0x8F2B, s0  }
0xbc: {  	[sflag:s0] =	ssyncadd.remote.s32 $0x1  }
0xbd: {  	_ =	sfence.sel $0xFFFF  }
0xbe: {  	[dreg:$0x0] =	wrdreg $0xFFFFFFFF;
	(pc) =	sbr.abs _section_cstart, $3  }
0xbf: {  	[dreg:$0x1] =	wrdreg $0xFFFFFFFF  }
0xc0: {  	_ =	task.clear_ibuf [dreg:s6], $0x2FFFF;
	_ =	strace $0x9FFFFFFF  }
0xc1: {  	(tm) =	ssettm $0x7FFFFFFF  }
tec
execute0_lowered:
.L_overlay_start_1:
0x0: {  	(tag) =	ssettag $0x1  }
0x1: {  	s6 =	rddreg [dreg:$0x0]  }
0x2: {  	s0 =	rddreg [dreg:$0x1];
	s1 =	simm.s32 $0x0;
	s2 =	srdreg.scid  }
0x3: {  	s10 =	simm.s32 $0x80;
	s11 =	simm.s32 $0x100;
	s12 =	simm.s32 $0x4100  }
0x4: {  	s13 =	simm.s32 $0x8100;
	s14 =	simm.s32 $0x0;
	[smem:$0x7FF] =	sst s1  }
0x5: {  	s5 =	sand.u32 $0x1, s2;
	s3 =	sadd.s32 $0x2800, s6;
	s4 =	sadd.s32 $0x40E00, s6  }
0x6: {  	s2 =	stileid.u32;
	_ =	strace $0x80000050;
	s7 =	ssub.s32 $0x2, s5  }
0x7: {  	s9 =	sshll.u32 s5, $0x4;
	s5 =	sadd.s32 $0x3DC00, s6;
	s8 =	sshrl.u32 s7, $0x1  }
0x8: {  	s6 =	sadd.s32 $0x44000, s6;
	s31 =	sor.u32 s2, s9;
	s8 =	ssub.s32 s7, s8  }
0x9: {  	s9 =	simm.s32 $0x1;
	s7 =	smul.u32 $0xC80, s31;
	s8 =	smax.u32 s8, $0x1  }
.LBB2_1:
0xa: {  	s15 =	simm.s32 $0x0  }
.LBB2_2:
0xb: {  	s16 =	sshll.u32 s15, $0x7  }
0xc: {  	s16 =	sadd.s32 s7, s16  }
0xd: {  	s17 =	sshrl.u32 s16, $0x3  }
0xe: {  	s19 =	simm.s32 $0x0;
	s18 =	sadd.s32 s4, s17  }
0xf: {  	[tilespmem:s19], [sflag:$0x1] =	stream.linear.gather [hbm4b:s18+s19], $0x80, $0x38;
	[tilespmem:$0xC100] =	vst v63  }
0x10: {  	_ =	swait.ge [sflag:s9], $0x80  }
0x11: {  	[sflag:s9] =	ssyncset.done $0x0  }
0x12: {  	s17 =	sadd.s32 s5, s17;
	[sflag:s9] =	ssyncadd.s32 $0xFFFFFF80  }
0x13: {  	[tilespmem:s10], [sflag:$0x1] =	stream.linear.gather [hbm4b:s17+s19], $0x80, $0x38;
	[tilespmem:$0xC100] =	vst v63  }
0x14: {  	_ =	swait.ge [sflag:s9], $0x80  }
0x15: {  	[sflag:s9] =	ssyncset.done $0x0  }
0x16: {  	[sflag:s9] =	ssyncadd.s32 $0xFFFFFF80  }
0x17: {  	[tilespmem:s11], [sflag:$0x1] =	stream.indirect.gather [hbm4b:s3+s10], $0x80, s19, s10, $0xb8;
	[tilespmem:$0xC100] =	vst v63  }
0x18: {  	_ =	swait.ge [sflag:s9], $0x4000  }
0x19: {  	[sflag:s9] =	ssyncset.done $0x0  }
0x1a: {  	[sflag:s9] =	ssyncadd.s32 $0xFFFFC000  }
0x1b: {  	[tilespmem:s12], [sflag:$0x1] =	stream.indirect.gather [hbm4b:s3+s10], $0x80, s10, s10, $0xb8;
	[tilespmem:$0xC100] =	vst v63  }
0x1c: {  	_ =	swait.ge [sflag:s9], $0x4000  }
0x1d: {  	[sflag:s9] =	ssyncset.done $0x0  }
0x1e: {  	s17 =	simm.s32 $0x0;
	[sflag:s9] =	ssyncadd.s32 $0xFFFFC000  }
0x1f: {  	v2 =	vld [tilespmem:s17+$0x130]  }
0x20: {  	v4 =	vld [tilespmem:s17+$0x4170]  }
0x21: {  	v5 =	vld [tilespmem:s17+$0x100]  }
0x22: {  	v6 =	vld [tilespmem:s17+$0x4140]  }
0x23: {  	v1 =	vld [tilespmem:s17+$0x110]  }
0x24: {  	v3 =	vld [tilespmem:s17+$0x4150]  }
0x25: {  	v0 =	vld [tilespmem:s17+$0x120];
	v7 =	vadd.f32 v4, v2  }
0x26: {  	s18 =	simm.s32 $0x80;
	v4 =	vld [tilespmem:s17+$0x4160]  }
0x27: {  	s19 =	simm.s32 $0x400;
	v2 =	vld [tilespmem:s18+$0x130];
	v5 =	vadd.f32 v6, v5;
	[tilespmem:s17+$0x8130] =	vst v7  }
.LBB2_3:
0x28: {  	p0 =	sne.s32 s19, $0xFE00;
	v6 =	vld [tilespmem:s18+$0x4170]  }
0x29: {  	v7 =	vld [tilespmem:s18+$0x100];
	[tilespmem:s17+$0x8100] =	vst v5;
	v3 =	vadd.f32 v3, v1  }
0x2a: {  	v5 =	vld [tilespmem:s18+$0x4140]  }
.Ltmp0:
0x2b: {  	v1 =	vld [tilespmem:s18+$0x110];
	[tilespmem:s17+$0x8110] =	vst v3;
	v4 =	vadd.f32 v4, v0;
	(pc) =	sbr.rel @p0 .LBB2_3-.Ltmp0, $4  }
0x2c: {  	v3 =	vld [tilespmem:s18+$0x4150]  }
0x2d: {  	v0 =	vld [tilespmem:s18+$0x120];
	v6 =	vadd.f32 v6, v2;
	[tilespmem:s17+$0x8120] =	vst v4;
	s17 =	smov.u32 s18  }
0x2e: {  	s18 =	sshra.s32 s19, $0x2;
	v4 =	vld [tilespmem:s17+$0x4160]  }
0x2f: {  	s19 =	sadd.s32 $0x200, s19;
	v2 =	vld [tilespmem:s18+$0x130];
	v5 =	vadd.f32 v5, v7;
	[tilespmem:s17+$0x8130] =	vst v6  }
0x30: {  	v6 =	vld [tilespmem:s18+$0x4170]  }
0x31: {  	v7 =	vld [tilespmem:s18+$0x100];
	[tilespmem:s17+$0x8100] =	vst v5;
	v1 =	vadd.f32 v3, v1  }
0x32: {  	v62 =	vld [tilespmem:s18+$0x4140]  }
0x33: {  	v5 =	vld [tilespmem:s18+$0x110];
	[tilespmem:s17+$0x8110] =	vst v1;
	v0 =	vadd.f32 v4, v0  }
0x34: {  	v1 =	vld [tilespmem:s18+$0x4150]  }
0x35: {  	v63 =	vld [tilespmem:s18+$0x120];
	[tilespmem:s17+$0x8120] =	vst v0  }
0x36: {  	v0 =	vld [tilespmem:s18+$0x4160];
	_ =	sdelay $0x1  }
0x37: {  	v2 =	vadd.f32 v6, v2  }
0x38: {  	v3 =	vadd.f32 v62, v7  }
0x39: {  	[tilespmem:s18+$0x8130] =	vst v2;
	v1 =	vadd.f32 v1, v5  }
0x3a: {  	s15 =	sadd.s32 $0x1, s15;
	[tilespmem:s18+$0x8100] =	vst v3;
	v0 =	vadd.f32 v0, v63  }
0x3b: {  	s16 =	sshll.u32 s16, $0x4;
	p0 =	sne.s32 s15, $0x19;
	[tilespmem:s18+$0x8110] =	vst v1  }
.Ltmp1:
0x3c: {  	s16 =	sadd.s32 s6, s16;
	[tilespmem:s18+$0x8120] =	vst v0;
	(pc) =	sbr.rel @p0 .LBB2_2-.Ltmp1, $4  }
0x3d: {  	[hbm4b:s16+s1] =	stream.linear.scatter [tilespmem:s13], [sflag:$0x1], $0x4000, $0x38;
	[tilespmem:$0xC100] =	vst v63  }
0x3e: {  	_ =	swait.ge [sflag:s9], $0x4000  }
0x3f: {  	[sflag:s9] =	ssyncset.done $0x0  }
0x40: {  	[sflag:s9] =	ssyncadd.s32 $0xFFFFC000  }
0x41: {  	s14 =	sadd.s32 $0x1, s14  }
0x42: {  	p0 =	sne.s32 s14, s8  }
.Ltmp2:
0x43: {  	_ = 	snop;
	(pc) =	sbr.rel @p0 .LBB2_1-.Ltmp2, $1  }
0x44: {  	_ =	sdelay $0x3  }
0x45: {  	_ =	sfence.sel $0x180000  }
0x46: {  	[bflag:$0x0] =	sbarrier.arrive $0xFFFF  }
0x47: {  	p0 =	sne.s32 s2, $0x0;
	_ =	strace $0x90000050  }
0x48: {  	s0 =	sadd.s32 @!p0 $0x100000, s0;
	[bflag:$0x2] =	sbarrier.arrive $0xFFFF  }
0x49: {  	[sflag:s0] =	ssyncadd.tile.s32 @!p0 $0x1;
	_ =	shalt  }
.Lfunc_end2:
_tile_overlayer_lowered:
.L_overlay_start_2:
0x4a: {  	(tag) =	ssettag $0x2  }
0x4b: {  	s0 =	rddreg [dreg:$0x0];
	s2 =	stileid.u32  }
0x4c: {  	s1 =	rddreg [dreg:$0x1];
	p0 =	sne.s32 s2, $0x0  }
0x4d: {  	s3 =	rddreg [dreg:$0x2];
	[bflag:$0x3] =	sbarrier.arrive $0xFFFF;
	s2 =	simm.s32 @!p0 $0x1C01  }
0x4e: {  	[timem:s3], [sflag:s2] =	dma.local @!p0 [hbm:s0], s1  }
0x4f: {  	s0 =	simm.s32 @!p0 $0x1  }
0x50: {  	_ =	swait.ge @!p0 [sflag:s0], s1  }
0x51: {  	s1 =	ssub.s32 @!p0 $0x0, s1;
	[sflag:s0] =	ssyncset.done @!p0 $0x0  }
0x52: {  	[sflag:s0] =	ssyncadd.s32 @!p0 s1  }
0x53: {  	[bflag:$0x3] =	sbarrier.arrive $0xFFFF  }
0x54: {  	_ =	shalt  }

</sc_bundles>
